<compile_context>
chip_gen: v7x
topology: tpu7x:2x2x1
jax: 0.10.2.dev20260603
libtpu: 0.0.44.dev20260713+nightly
codegen_flags: <defaults>
</compile_context>

<pallas_src>
import jax
import jax.numpy as jnp
from jax import lax
from jax.experimental import pallas as pl
from jax.experimental.pallas import tpu as pltpu
from jax.experimental.pallas import tpu_sc as plsc

VOCAB = 100000
EMBED_DIM = 128
BATCH = 4096
HIST = 50

NC = 2
NS = 16
NW = NC * NS
TOTAL = BATCH * HIST
B_PER_W = TOTAL // NW
CHUNK = 128
NCHUNK = B_PER_W // CHUNK
NBUF = 5


def _body(x_hbm, table_hbm, out_hbm, idx_v, rows_v, *sems):
    sid = lax.axis_index("s")
    wid = sid * NC + lax.axis_index("c")
    base = wid * B_PER_W
    pltpu.sync_copy(x_hbm.at[wid], idx_v)

    def gather(c, b):
        pltpu.async_copy(table_hbm.at[idx_v.at[c]], rows_v.at[b], sems[b])

    def wait(c, b):
        pltpu.make_async_copy(
            table_hbm.at[idx_v.at[c]], rows_v.at[b], sems[b]
        ).wait()

    def write(c, b):
        pltpu.sync_copy(rows_v.at[b], out_hbm.at[pl.ds(base + c * CHUNK, CHUNK)])

    for b in range(NBUF):
        gather(b, b)

    def step(i):
        for b in range(NBUF):
            c = i * NBUF + b
            wait(c, b)
            write(c, b)
            gather(c + NBUF, b)

    pl.loop(0, NCHUNK // NBUF - 1)(step)

    for b in range(NBUF):
        c = NCHUNK - NBUF + b
        wait(c, b)
        write(c, b)


@jax.jit
def kernel(x, table):
    x_blocks = x.reshape(NW, NCHUNK, CHUNK)
    mesh = plsc.VectorSubcoreMesh(core_axis_name="c", subcore_axis_name="s")
    out = pl.kernel(
        _body,
        out_type=jax.ShapeDtypeStruct((TOTAL, EMBED_DIM), jnp.float32),
        mesh=mesh,
        scratch_types=[
            pltpu.VMEM((NCHUNK, CHUNK), jnp.int32),
            pltpu.VMEM((NBUF, CHUNK, EMBED_DIM), jnp.float32),
        ] + [pltpu.SemaphoreType.DMA] * NBUF,
    )(x_blocks, table)
    return out.reshape(BATCH, HIST, EMBED_DIM)

# --- scband reference (transcript-rebuilt; emitter-appended) ---
"""Pipeline reference for scband-embedder-40089224741009 (READ-ONLY COPY).

The authoritative reference and input builder live on the scoring server;
editing this copy changes nothing except your own understanding.
"""

import jax, jax.numpy as jnp
import numpy as np

VOCAB = 100000
EMBED_DIM = 128
BATCH = 4096
HIST = 50

def setup_inputs(seed: int = 0) -> dict:
    key = jax.random.key(seed)
    k_idx, k_tab = jax.random.split(key)
    x = jax.random.randint(k_idx, (BATCH, HIST), 0, VOCAB, dtype=jnp.int64 if jax.config.jax_enable_x64 else jnp.int32).astype(jnp.int32)
    # Pretrained (frozen) embedding table, analogous to TEXT.vocab.vectors
    table = jax.random.normal(k_tab, (VOCAB, EMBED_DIM), dtype=jnp.float32)
    return {"x": x, "table": table}

def reference(x, table):
    # nn.Embedding lookup: gather rows of the table by index
    x_vec = jnp.take(table, x, axis=0)
    return x_vec

if __name__ == "__main__":
    import jax
    _d = setup_inputs()
    print(jax.jit(kernel)(*tuple(_d.values())))

</pallas_src>

<mosaic_0001>
#map = affine_map<(d0, d1) -> (0, 0, 0)>
#map1 = affine_map<(d0, d1) -> (0, 0)>
module attributes {stable_mosaic.version = 14 : i64} {
  func.func @_body(%arg0: i32, %arg1: i32, %arg2: memref<32x50x128xi32, #tpu.memory_space<hbm>>, %arg3: memref<100000x128xf32, #tpu.memory_space<hbm>>, %arg4: memref<204800x128xf32, #tpu.memory_space<hbm>>, %arg5: memref<50x128xi32, #tpu.memory_space<vmem>>, %arg6: memref<5x128x128xf32, #tpu.memory_space<vmem>>, %arg7: memref<!tpu.dma_semaphore, #tpu.memory_space<semaphore_mem>>, %arg8: memref<!tpu.dma_semaphore, #tpu.memory_space<semaphore_mem>>, %arg9: memref<!tpu.dma_semaphore, #tpu.memory_space<semaphore_mem>>, %arg10: memref<!tpu.dma_semaphore, #tpu.memory_space<semaphore_mem>>, %arg11: memref<!tpu.dma_semaphore, #tpu.memory_space<semaphore_mem>>) attributes {dimension_semantics = [#tpu.dimension_semantics<core_parallel>, #tpu.dimension_semantics<subcore_parallel>], iteration_bounds = array<i64: 2, 16>, scalar_prefetch = 0 : i64, scratch_operands = 7 : i64, tpu.core_type = #tpu.core_type<sc_vector_subcore>, window_params = [{transform_indices = #map}, {transform_indices = #map1}, {transform_indices = #map1}]} {
    %mul3A = arith.constant 2 : i32
    %mul3A_0 = arith.muli %arg1, %mul3A : i32
    %add3A = arith.addi %mul3A_0, %arg0 : i32
    %mul3A_1 = arith.constant 6400 : i32
    %mul3A_2 = arith.muli %add3A, %mul3A_1 : i32
    "tpu.region"() ({
      %run_scoped3A_139 = tpu.sem_alloc : memref<!tpu.dma_semaphore, #tpu.memory_space<semaphore_mem>>
      %dma_start3A_140 = arith.constant 0 : i32
      %dma_start3A_141 = arith.constant 0 : i32
      %dma_start3A_142 = tpu.memref_slice %arg2[%add3A, %dma_start3A_140, %dma_start3A_141] : memref<32x50x128xi32, #tpu.memory_space<hbm>> -> memref<1x50x128xi32, #tpu.memory_space<hbm>>
      %dma_start3A_143 = tpu.memref_squeeze %dma_start3A_142 : memref<1x50x128xi32, #tpu.memory_space<hbm>> -> memref<50x128xi32, #tpu.memory_space<hbm>>
      %dma_start3A_144 = arith.constant 0 : i32
      %dma_start3A_145 = arith.constant 0 : i32
      %dma_start3A_146 = tpu.memref_slice %arg2[%add3A, %dma_start3A_144, %dma_start3A_145] : memref<32x50x128xi32, #tpu.memory_space<hbm>> -> memref<1x50x128xi32, #tpu.memory_space<hbm>>
      %dma_start3A_147 = tpu.memref_squeeze %dma_start3A_146 : memref<1x50x128xi32, #tpu.memory_space<hbm>> -> memref<50x128xi32, #tpu.memory_space<hbm>>
      tpu.enqueue_dma source(%dma_start3A_147 : memref<50x128xi32, #tpu.memory_space<hbm>>) target(%arg5 : memref<50x128xi32, #tpu.memory_space<vmem>>) target_semaphore(%run_scoped3A_139 : memref<!tpu.dma_semaphore, #tpu.memory_space<semaphore_mem>>)
      %dma_wait3A_148 = arith.constant 0 : i32
      %dma_wait3A_149 = arith.constant 0 : i32
      %dma_wait3A_150 = tpu.memref_slice %arg2[%add3A, %dma_wait3A_148, %dma_wait3A_149] : memref<32x50x128xi32, #tpu.memory_space<hbm>> -> memref<1x50x128xi32, #tpu.memory_space<hbm>>
      %dma_wait3A_151 = tpu.memref_squeeze %dma_wait3A_150 : memref<1x50x128xi32, #tpu.memory_space<hbm>> -> memref<50x128xi32, #tpu.memory_space<hbm>>
      %dma_wait3A_152 = arith.constant 0 : i32
      %dma_wait3A_153 = arith.constant 0 : i32
      %dma_wait3A_154 = tpu.memref_slice %arg2[%add3A, %dma_wait3A_152, %dma_wait3A_153] : memref<32x50x128xi32, #tpu.memory_space<hbm>> -> memref<1x50x128xi32, #tpu.memory_space<hbm>>
      %dma_wait3A_155 = tpu.memref_squeeze %dma_wait3A_154 : memref<1x50x128xi32, #tpu.memory_space<hbm>> -> memref<50x128xi32, #tpu.memory_space<hbm>>
      tpu.wait_dma2 semaphore(%run_scoped3A_139 : memref<!tpu.dma_semaphore, #tpu.memory_space<semaphore_mem>>) src(%dma_wait3A_155 : memref<50x128xi32, #tpu.memory_space<hbm>>) dst(%arg5 : memref<50x128xi32, #tpu.memory_space<vmem>>)
      tpu.yield
    }) : () -> ()
    %dma_start3A = arith.constant 0 : i32
    %dma_start3A_3 = arith.constant 0 : i32
    %dma_start3A_4 = arith.constant 0 : i32
    %dma_start3A_5 = arith.constant 0 : i32
    %dma_start3A_6 = tpu.memref_slice %arg6[%dma_start3A_3, %dma_start3A_4, %dma_start3A_5] : memref<5x128x128xf32, #tpu.memory_space<vmem>> -> memref<1x128x128xf32, #tpu.memory_space<vmem>>
    %dma_start3A_7 = tpu.memref_squeeze %dma_start3A_6 : memref<1x128x128xf32, #tpu.memory_space<vmem>> -> memref<128x128xf32, #tpu.memory_space<vmem>>
    %dma_start3A_8 = arith.constant 0 : i32
    %dma_start3A_9 = tpu.memref_slice %arg5[%dma_start3A, %dma_start3A_8] : memref<50x128xi32, #tpu.memory_space<vmem>> -> memref<1x128xi32, #tpu.memory_space<vmem>>
    %dma_start3A_10 = tpu.memref_squeeze %dma_start3A_9 : memref<1x128xi32, #tpu.memory_space<vmem>> -> memref<128xi32, #tpu.memory_space<vmem>>
    %dma_start3A_11 = arith.constant 0 : i32
    %dma_start3A_12 = arith.constant 0 : i32
    %dma_start3A_13 = tpu.memref_slice %arg3[%dma_start3A_11, %dma_start3A_12] : memref<100000x128xf32, #tpu.memory_space<hbm>> -> memref<100000x128xf32, #tpu.memory_space<hbm>>
    tpu.enqueue_indirect_dma source(%dma_start3A_13 : memref<100000x128xf32, #tpu.memory_space<hbm>>) target(%dma_start3A_7 : memref<128x128xf32, #tpu.memory_space<vmem>>) offsets(%dma_start3A_10 : memref<128xi32, #tpu.memory_space<vmem>>) semaphore(%arg7 : memref<!tpu.dma_semaphore, #tpu.memory_space<semaphore_mem>>)
    %dma_start3A_14 = arith.constant 1 : i32
    %dma_start3A_15 = arith.constant 1 : i32
    %dma_start3A_16 = arith.constant 0 : i32
    %dma_start3A_17 = arith.constant 0 : i32
    %dma_start3A_18 = tpu.memref_slice %arg6[%dma_start3A_15, %dma_start3A_16, %dma_start3A_17] : memref<5x128x128xf32, #tpu.memory_space<vmem>> -> memref<1x128x128xf32, #tpu.memory_space<vmem>>
    %dma_start3A_19 = tpu.memref_squeeze %dma_start3A_18 : memref<1x128x128xf32, #tpu.memory_space<vmem>> -> memref<128x128xf32, #tpu.memory_space<vmem>>
    %dma_start3A_20 = arith.constant 0 : i32
    %dma_start3A_21 = tpu.memref_slice %arg5[%dma_start3A_14, %dma_start3A_20] : memref<50x128xi32, #tpu.memory_space<vmem>> -> memref<1x128xi32, #tpu.memory_space<vmem>>
    %dma_start3A_22 = tpu.memref_squeeze %dma_start3A_21 : memref<1x128xi32, #tpu.memory_space<vmem>> -> memref<128xi32, #tpu.memory_space<vmem>>
    %dma_start3A_23 = arith.constant 0 : i32
    %dma_start3A_24 = arith.constant 0 : i32
    %dma_start3A_25 = tpu.memref_slice %arg3[%dma_start3A_23, %dma_start3A_24] : memref<100000x128xf32, #tpu.memory_space<hbm>> -> memref<100000x128xf32, #tpu.memory_space<hbm>>
    tpu.enqueue_indirect_dma source(%dma_start3A_25 : memref<100000x128xf32, #tpu.memory_space<hbm>>) target(%dma_start3A_19 : memref<128x128xf32, #tpu.memory_space<vmem>>) offsets(%dma_start3A_22 : memref<128xi32, #tpu.memory_space<vmem>>) semaphore(%arg8 : memref<!tpu.dma_semaphore, #tpu.memory_space<semaphore_mem>>)
    %dma_start3A_26 = arith.constant 2 : i32
    %dma_start3A_27 = arith.constant 2 : i32
    %dma_start3A_28 = arith.constant 0 : i32
    %dma_start3A_29 = arith.constant 0 : i32
    %dma_start3A_30 = tpu.memref_slice %arg6[%dma_start3A_27, %dma_start3A_28, %dma_start3A_29] : memref<5x128x128xf32, #tpu.memory_space<vmem>> -> memref<1x128x128xf32, #tpu.memory_space<vmem>>
    %dma_start3A_31 = tpu.memref_squeeze %dma_start3A_30 : memref<1x128x128xf32, #tpu.memory_space<vmem>> -> memref<128x128xf32, #tpu.memory_space<vmem>>
    %dma_start3A_32 = arith.constant 0 : i32
    %dma_start3A_33 = tpu.memref_slice %arg5[%dma_start3A_26, %dma_start3A_32] : memref<50x128xi32, #tpu.memory_space<vmem>> -> memref<1x128xi32, #tpu.memory_space<vmem>>
    %dma_start3A_34 = tpu.memref_squeeze %dma_start3A_33 : memref<1x128xi32, #tpu.memory_space<vmem>> -> memref<128xi32, #tpu.memory_space<vmem>>
    %dma_start3A_35 = arith.constant 0 : i32
    %dma_start3A_36 = arith.constant 0 : i32
    %dma_start3A_37 = tpu.memref_slice %arg3[%dma_start3A_35, %dma_start3A_36] : memref<100000x128xf32, #tpu.memory_space<hbm>> -> memref<100000x128xf32, #tpu.memory_space<hbm>>
    tpu.enqueue_indirect_dma source(%dma_start3A_37 : memref<100000x128xf32, #tpu.memory_space<hbm>>) target(%dma_start3A_31 : memref<128x128xf32, #tpu.memory_space<vmem>>) offsets(%dma_start3A_34 : memref<128xi32, #tpu.memory_space<vmem>>) semaphore(%arg9 : memref<!tpu.dma_semaphore, #tpu.memory_space<semaphore_mem>>)
    %dma_start3A_38 = arith.constant 3 : i32
    %dma_start3A_39 = arith.constant 3 : i32
    %dma_start3A_40 = arith.constant 0 : i32
    %dma_start3A_41 = arith.constant 0 : i32
    %dma_start3A_42 = tpu.memref_slice %arg6[%dma_start3A_39, %dma_start3A_40, %dma_start3A_41] : memref<5x128x128xf32, #tpu.memory_space<vmem>> -> memref<1x128x128xf32, #tpu.memory_space<vmem>>
    %dma_start3A_43 = tpu.memref_squeeze %dma_start3A_42 : memref<1x128x128xf32, #tpu.memory_space<vmem>> -> memref<128x128xf32, #tpu.memory_space<vmem>>
    %dma_start3A_44 = arith.constant 0 : i32
    %dma_start3A_45 = tpu.memref_slice %arg5[%dma_start3A_38, %dma_start3A_44] : memref<50x128xi32, #tpu.memory_space<vmem>> -> memref<1x128xi32, #tpu.memory_space<vmem>>
    %dma_start3A_46 = tpu.memref_squeeze %dma_start3A_45 : memref<1x128xi32, #tpu.memory_space<vmem>> -> memref<128xi32, #tpu.memory_space<vmem>>
    %dma_start3A_47 = arith.constant 0 : i32
    %dma_start3A_48 = arith.constant 0 : i32
    %dma_start3A_49 = tpu.memref_slice %arg3[%dma_start3A_47, %dma_start3A_48] : memref<100000x128xf32, #tpu.memory_space<hbm>> -> memref<100000x128xf32, #tpu.memory_space<hbm>>
    tpu.enqueue_indirect_dma source(%dma_start3A_49 : memref<100000x128xf32, #tpu.memory_space<hbm>>) target(%dma_start3A_43 : memref<128x128xf32, #tpu.memory_space<vmem>>) offsets(%dma_start3A_46 : memref<128xi32, #tpu.memory_space<vmem>>) semaphore(%arg10 : memref<!tpu.dma_semaphore, #tpu.memory_space<semaphore_mem>>)
    %dma_start3A_50 = arith.constant 4 : i32
    %dma_start3A_51 = arith.constant 4 : i32
    %dma_start3A_52 = arith.constant 0 : i32
    %dma_start3A_53 = arith.constant 0 : i32
    %dma_start3A_54 = tpu.memref_slice %arg6[%dma_start3A_51, %dma_start3A_52, %dma_start3A_53] : memref<5x128x128xf32, #tpu.memory_space<vmem>> -> memref<1x128x128xf32, #tpu.memory_space<vmem>>
    %dma_start3A_55 = tpu.memref_squeeze %dma_start3A_54 : memref<1x128x128xf32, #tpu.memory_space<vmem>> -> memref<128x128xf32, #tpu.memory_space<vmem>>
    %dma_start3A_56 = arith.constant 0 : i32
    %dma_start3A_57 = tpu.memref_slice %arg5[%dma_start3A_50, %dma_start3A_56] : memref<50x128xi32, #tpu.memory_space<vmem>> -> memref<1x128xi32, #tpu.memory_space<vmem>>
    %dma_start3A_58 = tpu.memref_squeeze %dma_start3A_57 : memref<1x128xi32, #tpu.memory_space<vmem>> -> memref<128xi32, #tpu.memory_space<vmem>>
    %dma_start3A_59 = arith.constant 0 : i32
    %dma_start3A_60 = arith.constant 0 : i32
    %dma_start3A_61 = tpu.memref_slice %arg3[%dma_start3A_59, %dma_start3A_60] : memref<100000x128xf32, #tpu.memory_space<hbm>> -> memref<100000x128xf32, #tpu.memory_space<hbm>>
    tpu.enqueue_indirect_dma source(%dma_start3A_61 : memref<100000x128xf32, #tpu.memory_space<hbm>>) target(%dma_start3A_55 : memref<128x128xf32, #tpu.memory_space<vmem>>) offsets(%dma_start3A_58 : memref<128xi32, #tpu.memory_space<vmem>>) semaphore(%arg11 : memref<!tpu.dma_semaphore, #tpu.memory_space<semaphore_mem>>)
    %scan3A = arith.constant 0 : i32
    %scan3A_62 = arith.constant 9 : i32
    %scan3A_63 = arith.addi %scan3A, %scan3A_62 : i32
    %scan3A_64 = arith.constant 1 : i32
    scf.for %scan3A_139 = %scan3A to %scan3A_63 step %scan3A_64  : i32 {
      %mul3A_140 = arith.constant 1 : i32
      %mul3A_141 = arith.muli %scan3A_139, %mul3A_140 : i32
      %add3A_142 = arith.constant 0 : i32
      %add3A_143 = arith.addi %add3A_142, %mul3A_141 : i32
      %mul3A_144 = arith.constant 5 : i32
      %mul3A_145 = arith.muli %add3A_143, %mul3A_144 : i32
      %add3A_146 = arith.constant 0 : i32
      %add3A_147 = arith.addi %mul3A_145, %add3A_146 : i32
      %dma_wait3A_148 = arith.constant 0 : i32
      %dma_wait3A_149 = arith.constant 0 : i32
      %dma_wait3A_150 = arith.constant 0 : i32
      %dma_wait3A_151 = tpu.memref_slice %arg6[%dma_wait3A_148, %dma_wait3A_149, %dma_wait3A_150] : memref<5x128x128xf32, #tpu.memory_space<vmem>> -> memref<1x128x128xf32, #tpu.memory_space<vmem>>
      %dma_wait3A_152 = tpu.memref_squeeze %dma_wait3A_151 : memref<1x128x128xf32, #tpu.memory_space<vmem>> -> memref<128x128xf32, #tpu.memory_space<vmem>>
      %dma_wait3A_153 = arith.constant 0 : i32
      %dma_wait3A_154 = tpu.memref_slice %arg5[%add3A_147, %dma_wait3A_153] : memref<50x128xi32, #tpu.memory_space<vmem>> -> memref<1x128xi32, #tpu.memory_space<vmem>>
      %dma_wait3A_155 = tpu.memref_squeeze %dma_wait3A_154 : memref<1x128xi32, #tpu.memory_space<vmem>> -> memref<128xi32, #tpu.memory_space<vmem>>
      %dma_wait3A_156 = arith.constant 0 : i32
      %dma_wait3A_157 = arith.constant 0 : i32
      %dma_wait3A_158 = tpu.memref_slice %arg3[%dma_wait3A_156, %dma_wait3A_157] : memref<100000x128xf32, #tpu.memory_space<hbm>> -> memref<100000x128xf32, #tpu.memory_space<hbm>>
      tpu.wait_indirect_dma semaphore(%arg7 : memref<!tpu.dma_semaphore, #tpu.memory_space<semaphore_mem>>) src(%dma_wait3A_158 : memref<100000x128xf32, #tpu.memory_space<hbm>>) dst(%dma_wait3A_152 : memref<128x128xf32, #tpu.memory_space<vmem>>)
      %mul3A_159 = arith.constant 128 : i32
      %mul3A_160 = arith.muli %add3A_147, %mul3A_159 : i32
      %add3A_161 = arith.addi %mul3A_2, %mul3A_160 : i32
      %run_scoped3A_162 = arith.constant 0 : i32
      "tpu.region"() ({
        %run_scoped3A_304 = tpu.sem_alloc : memref<!tpu.dma_semaphore, #tpu.memory_space<semaphore_mem>>
        %dma_start3A_305 = arith.constant 0 : i32
        %dma_start3A_306 = arith.constant 0 : i32
        %dma_start3A_307 = tpu.memref_slice %arg6[%run_scoped3A_162, %dma_start3A_305, %dma_start3A_306] : memref<5x128x128xf32, #tpu.memory_space<vmem>> -> memref<1x128x128xf32, #tpu.memory_space<vmem>>
        %dma_start3A_308 = tpu.memref_squeeze %dma_start3A_307 : memref<1x128x128xf32, #tpu.memory_space<vmem>> -> memref<128x128xf32, #tpu.memory_space<vmem>>
        %dma_start3A_309 = arith.constant 0 : i32
        %dma_start3A_310 = tpu.memref_slice %arg4[%add3A_161, %dma_start3A_309] : memref<204800x128xf32, #tpu.memory_space<hbm>> -> memref<128x128xf32, #tpu.memory_space<hbm>>
        %dma_start3A_311 = arith.constant 0 : i32
        %dma_start3A_312 = tpu.memref_slice %arg4[%add3A_161, %dma_start3A_311] : memref<204800x128xf32, #tpu.memory_space<hbm>> -> memref<128x128xf32, #tpu.memory_space<hbm>>
        %dma_start3A_313 = arith.constant 0 : i32
        %dma_start3A_314 = arith.constant 0 : i32
        %dma_start3A_315 = tpu.memref_slice %arg6[%run_scoped3A_162, %dma_start3A_313, %dma_start3A_314] : memref<5x128x128xf32, #tpu.memory_space<vmem>> -> memref<1x128x128xf32, #tpu.memory_space<vmem>>
        %dma_start3A_316 = tpu.memref_squeeze %dma_start3A_315 : memref<1x128x128xf32, #tpu.memory_space<vmem>> -> memref<128x128xf32, #tpu.memory_space<vmem>>
        tpu.enqueue_dma source(%dma_start3A_316 : memref<128x128xf32, #tpu.memory_space<vmem>>) target(%dma_start3A_312 : memref<128x128xf32, #tpu.memory_space<hbm>>) target_semaphore(%run_scoped3A_304 : memref<!tpu.dma_semaphore, #tpu.memory_space<semaphore_mem>>)
        %dma_wait3A_317 = arith.constant 0 : i32
        %dma_wait3A_318 = arith.constant 0 : i32
        %dma_wait3A_319 = tpu.memref_slice %arg6[%run_scoped3A_162, %dma_wait3A_317, %dma_wait3A_318] : memref<5x128x128xf32, #tpu.memory_space<vmem>> -> memref<1x128x128xf32, #tpu.memory_space<vmem>>
        %dma_wait3A_320 = tpu.memref_squeeze %dma_wait3A_319 : memref<1x128x128xf32, #tpu.memory_space<vmem>> -> memref<128x128xf32, #tpu.memory_space<vmem>>
        %dma_wait3A_321 = arith.constant 0 : i32
        %dma_wait3A_322 = tpu.memref_slice %arg4[%add3A_161, %dma_wait3A_321] : memref<204800x128xf32, #tpu.memory_space<hbm>> -> memref<128x128xf32, #tpu.memory_space<hbm>>
        %dma_wait3A_323 = arith.constant 0 : i32
        %dma_wait3A_324 = tpu.memref_slice %arg4[%add3A_161, %dma_wait3A_323] : memref<204800x128xf32, #tpu.memory_space<hbm>> -> memref<128x128xf32, #tpu.memory_space<hbm>>
        %dma_wait3A_325 = arith.constant 0 : i32
        %dma_wait3A_326 = arith.constant 0 : i32
        %dma_wait3A_327 = tpu.memref_slice %arg6[%run_scoped3A_162, %dma_wait3A_325, %dma_wait3A_326] : memref<5x128x128xf32, #tpu.memory_space<vmem>> -> memref<1x128x128xf32, #tpu.memory_space<vmem>>
        %dma_wait3A_328 = tpu.memref_squeeze %dma_wait3A_327 : memref<1x128x128xf32, #tpu.memory_space<vmem>> -> memref<128x128xf32, #tpu.memory_space<vmem>>
        tpu.wait_dma2 semaphore(%run_scoped3A_304 : memref<!tpu.dma_semaphore, #tpu.memory_space<semaphore_mem>>) src(%dma_wait3A_328 : memref<128x128xf32, #tpu.memory_space<vmem>>) dst(%dma_wait3A_324 : memref<128x128xf32, #tpu.memory_space<hbm>>)
        tpu.yield
      }) : () -> ()
      %add3A_163 = arith.constant 5 : i32
      %add3A_164 = arith.addi %add3A_147, %add3A_163 : i32
      %dma_start3A_165 = arith.constant 0 : i32
      %dma_start3A_166 = arith.constant 0 : i32
      %dma_start3A_167 = arith.constant 0 : i32
      %dma_start3A_168 = tpu.memref_slice %arg6[%dma_start3A_165, %dma_start3A_166, %dma_start3A_167] : memref<5x128x128xf32, #tpu.memory_space<vmem>> -> memref<1x128x128xf32, #tpu.memory_space<vmem>>
      %dma_start3A_169 = tpu.memref_squeeze %dma_start3A_168 : memref<1x128x128xf32, #tpu.memory_space<vmem>> -> memref<128x128xf32, #tpu.memory_space<vmem>>
      %dma_start3A_170 = arith.constant 0 : i32
      %dma_start3A_171 = tpu.memref_slice %arg5[%add3A_164, %dma_start3A_170] : memref<50x128xi32, #tpu.memory_space<vmem>> -> memref<1x128xi32, #tpu.memory_space<vmem>>
      %dma_start3A_172 = tpu.memref_squeeze %dma_start3A_171 : memref<1x128xi32, #tpu.memory_space<vmem>> -> memref<128xi32, #tpu.memory_space<vmem>>
      %dma_start3A_173 = arith.constant 0 : i32
      %dma_start3A_174 = arith.constant 0 : i32
      %dma_start3A_175 = tpu.memref_slice %arg3[%dma_start3A_173, %dma_start3A_174] : memref<100000x128xf32, #tpu.memory_space<hbm>> -> memref<100000x128xf32, #tpu.memory_space<hbm>>
      tpu.enqueue_indirect_dma source(%dma_start3A_175 : memref<100000x128xf32, #tpu.memory_space<hbm>>) target(%dma_start3A_169 : memref<128x128xf32, #tpu.memory_space<vmem>>) offsets(%dma_start3A_172 : memref<128xi32, #tpu.memory_space<vmem>>) semaphore(%arg7 : memref<!tpu.dma_semaphore, #tpu.memory_space<semaphore_mem>>)
      %mul3A_176 = arith.constant 5 : i32
      %mul3A_177 = arith.muli %add3A_143, %mul3A_176 : i32
      %add3A_178 = arith.constant 1 : i32
      %add3A_179 = arith.addi %mul3A_177, %add3A_178 : i32
      %dma_wait3A_180 = arith.constant 1 : i32
      %dma_wait3A_181 = arith.constant 0 : i32
      %dma_wait3A_182 = arith.constant 0 : i32
      %dma_wait3A_183 = tpu.memref_slice %arg6[%dma_wait3A_180, %dma_wait3A_181, %dma_wait3A_182] : memref<5x128x128xf32, #tpu.memory_space<vmem>> -> memref<1x128x128xf32, #tpu.memory_space<vmem>>
      %dma_wait3A_184 = tpu.memref_squeeze %dma_wait3A_183 : memref<1x128x128xf32, #tpu.memory_space<vmem>> -> memref<128x128xf32, #tpu.memory_space<vmem>>
      %dma_wait3A_185 = arith.constant 0 : i32
      %dma_wait3A_186 = tpu.memref_slice %arg5[%add3A_179, %dma_wait3A_185] : memref<50x128xi32, #tpu.memory_space<vmem>> -> memref<1x128xi32, #tpu.memory_space<vmem>>
      %dma_wait3A_187 = tpu.memref_squeeze %dma_wait3A_186 : memref<1x128xi32, #tpu.memory_space<vmem>> -> memref<128xi32, #tpu.memory_space<vmem>>
      %dma_wait3A_188 = arith.constant 0 : i32
      %dma_wait3A_189 = arith.constant 0 : i32
      %dma_wait3A_190 = tpu.memref_slice %arg3[%dma_wait3A_188, %dma_wait3A_189] : memref<100000x128xf32, #tpu.memory_space<hbm>> -> memref<100000x128xf32, #tpu.memory_space<hbm>>
      tpu.wait_indirect_dma semaphore(%arg8 : memref<!tpu.dma_semaphore, #tpu.memory_space<semaphore_mem>>) src(%dma_wait3A_190 : memref<100000x128xf32, #tpu.memory_space<hbm>>) dst(%dma_wait3A_184 : memref<128x128xf32, #tpu.memory_space<vmem>>)
      %mul3A_191 = arith.constant 128 : i32
      %mul3A_192 = arith.muli %add3A_179, %mul3A_191 : i32
      %add3A_193 = arith.addi %mul3A_2, %mul3A_192 : i32
      %run_scoped3A_194 = arith.constant 1 : i32
      "tpu.region"() ({
        %run_scoped3A_304 = tpu.sem_alloc : memref<!tpu.dma_semaphore, #tpu.memory_space<semaphore_mem>>
        %dma_start3A_305 = arith.constant 0 : i32
        %dma_start3A_306 = arith.constant 0 : i32
        %dma_start3A_307 = tpu.memref_slice %arg6[%run_scoped3A_194, %dma_start3A_305, %dma_start3A_306] : memref<5x128x128xf32, #tpu.memory_space<vmem>> -> memref<1x128x128xf32, #tpu.memory_space<vmem>>
        %dma_start3A_308 = tpu.memref_squeeze %dma_start3A_307 : memref<1x128x128xf32, #tpu.memory_space<vmem>> -> memref<128x128xf32, #tpu.memory_space<vmem>>
        %dma_start3A_309 = arith.constant 0 : i32
        %dma_start3A_310 = tpu.memref_slice %arg4[%add3A_193, %dma_start3A_309] : memref<204800x128xf32, #tpu.memory_space<hbm>> -> memref<128x128xf32, #tpu.memory_space<hbm>>
        %dma_start3A_311 = arith.constant 0 : i32
        %dma_start3A_312 = tpu.memref_slice %arg4[%add3A_193, %dma_start3A_311] : memref<204800x128xf32, #tpu.memory_space<hbm>> -> memref<128x128xf32, #tpu.memory_space<hbm>>
        %dma_start3A_313 = arith.constant 0 : i32
        %dma_start3A_314 = arith.constant 0 : i32
        %dma_start3A_315 = tpu.memref_slice %arg6[%run_scoped3A_194, %dma_start3A_313, %dma_start3A_314] : memref<5x128x128xf32, #tpu.memory_space<vmem>> -> memref<1x128x128xf32, #tpu.memory_space<vmem>>
        %dma_start3A_316 = tpu.memref_squeeze %dma_start3A_315 : memref<1x128x128xf32, #tpu.memory_space<vmem>> -> memref<128x128xf32, #tpu.memory_space<vmem>>
        tpu.enqueue_dma source(%dma_start3A_316 : memref<128x128xf32, #tpu.memory_space<vmem>>) target(%dma_start3A_312 : memref<128x128xf32, #tpu.memory_space<hbm>>) target_semaphore(%run_scoped3A_304 : memref<!tpu.dma_semaphore, #tpu.memory_space<semaphore_mem>>)
        %dma_wait3A_317 = arith.constant 0 : i32
        %dma_wait3A_318 = arith.constant 0 : i32
        %dma_wait3A_319 = tpu.memref_slice %arg6[%run_scoped3A_194, %dma_wait3A_317, %dma_wait3A_318] : memref<5x128x128xf32, #tpu.memory_space<vmem>> -> memref<1x128x128xf32, #tpu.memory_space<vmem>>
        %dma_wait3A_320 = tpu.memref_squeeze %dma_wait3A_319 : memref<1x128x128xf32, #tpu.memory_space<vmem>> -> memref<128x128xf32, #tpu.memory_space<vmem>>
        %dma_wait3A_321 = arith.constant 0 : i32
        %dma_wait3A_322 = tpu.memref_slice %arg4[%add3A_193, %dma_wait3A_321] : memref<204800x128xf32, #tpu.memory_space<hbm>> -> memref<128x128xf32, #tpu.memory_space<hbm>>
        %dma_wait3A_323 = arith.constant 0 : i32
        %dma_wait3A_324 = tpu.memref_slice %arg4[%add3A_193, %dma_wait3A_323] : memref<204800x128xf32, #tpu.memory_space<hbm>> -> memref<128x128xf32, #tpu.memory_space<hbm>>
        %dma_wait3A_325 = arith.constant 0 : i32
        %dma_wait3A_326 = arith.constant 0 : i32
        %dma_wait3A_327 = tpu.memref_slice %arg6[%run_scoped3A_194, %dma_wait3A_325, %dma_wait3A_326] : memref<5x128x128xf32, #tpu.memory_space<vmem>> -> memref<1x128x128xf32, #tpu.memory_space<vmem>>
        %dma_wait3A_328 = tpu.memref_squeeze %dma_wait3A_327 : memref<1x128x128xf32, #tpu.memory_space<vmem>> -> memref<128x128xf32, #tpu.memory_space<vmem>>
        tpu.wait_dma2 semaphore(%run_scoped3A_304 : memref<!tpu.dma_semaphore, #tpu.memory_space<semaphore_mem>>) src(%dma_wait3A_328 : memref<128x128xf32, #tpu.memory_space<vmem>>) dst(%dma_wait3A_324 : memref<128x128xf32, #tpu.memory_space<hbm>>)
        tpu.yield
      }) : () -> ()
      %add3A_195 = arith.constant 5 : i32
      %add3A_196 = arith.addi %add3A_179, %add3A_195 : i32
      %dma_start3A_197 = arith.constant 1 : i32
      %dma_start3A_198 = arith.constant 0 : i32
      %dma_start3A_199 = arith.constant 0 : i32
      %dma_start3A_200 = tpu.memref_slice %arg6[%dma_start3A_197, %dma_start3A_198, %dma_start3A_199] : memref<5x128x128xf32, #tpu.memory_space<vmem>> -> memref<1x128x128xf32, #tpu.memory_space<vmem>>
      %dma_start3A_201 = tpu.memref_squeeze %dma_start3A_200 : memref<1x128x128xf32, #tpu.memory_space<vmem>> -> memref<128x128xf32, #tpu.memory_space<vmem>>
      %dma_start3A_202 = arith.constant 0 : i32
      %dma_start3A_203 = tpu.memref_slice %arg5[%add3A_196, %dma_start3A_202] : memref<50x128xi32, #tpu.memory_space<vmem>> -> memref<1x128xi32, #tpu.memory_space<vmem>>
      %dma_start3A_204 = tpu.memref_squeeze %dma_start3A_203 : memref<1x128xi32, #tpu.memory_space<vmem>> -> memref<128xi32, #tpu.memory_space<vmem>>
      %dma_start3A_205 = arith.constant 0 : i32
      %dma_start3A_206 = arith.constant 0 : i32
      %dma_start3A_207 = tpu.memref_slice %arg3[%dma_start3A_205, %dma_start3A_206] : memref<100000x128xf32, #tpu.memory_space<hbm>> -> memref<100000x128xf32, #tpu.memory_space<hbm>>
      tpu.enqueue_indirect_dma source(%dma_start3A_207 : memref<100000x128xf32, #tpu.memory_space<hbm>>) target(%dma_start3A_201 : memref<128x128xf32, #tpu.memory_space<vmem>>) offsets(%dma_start3A_204 : memref<128xi32, #tpu.memory_space<vmem>>) semaphore(%arg8 : memref<!tpu.dma_semaphore, #tpu.memory_space<semaphore_mem>>)
      %mul3A_208 = arith.constant 5 : i32
      %mul3A_209 = arith.muli %add3A_143, %mul3A_208 : i32
      %add3A_210 = arith.constant 2 : i32
      %add3A_211 = arith.addi %mul3A_209, %add3A_210 : i32
      %dma_wait3A_212 = arith.constant 2 : i32
      %dma_wait3A_213 = arith.constant 0 : i32
      %dma_wait3A_214 = arith.constant 0 : i32
      %dma_wait3A_215 = tpu.memref_slice %arg6[%dma_wait3A_212, %dma_wait3A_213, %dma_wait3A_214] : memref<5x128x128xf32, #tpu.memory_space<vmem>> -> memref<1x128x128xf32, #tpu.memory_space<vmem>>
      %dma_wait3A_216 = tpu.memref_squeeze %dma_wait3A_215 : memref<1x128x128xf32, #tpu.memory_space<vmem>> -> memref<128x128xf32, #tpu.memory_space<vmem>>
      %dma_wait3A_217 = arith.constant 0 : i32
      %dma_wait3A_218 = tpu.memref_slice %arg5[%add3A_211, %dma_wait3A_217] : memref<50x128xi32, #tpu.memory_space<vmem>> -> memref<1x128xi32, #tpu.memory_space<vmem>>
      %dma_wait3A_219 = tpu.memref_squeeze %dma_wait3A_218 : memref<1x128xi32, #tpu.memory_space<vmem>> -> memref<128xi32, #tpu.memory_space<vmem>>
      %dma_wait3A_220 = arith.constant 0 : i32
      %dma_wait3A_221 = arith.constant 0 : i32
      %dma_wait3A_222 = tpu.memref_slice %arg3[%dma_wait3A_220, %dma_wait3A_221] : memref<100000x128xf32, #tpu.memory_space<hbm>> -> memref<100000x128xf32, #tpu.memory_space<hbm>>
      tpu.wait_indirect_dma semaphore(%arg9 : memref<!tpu.dma_semaphore, #tpu.memory_space<semaphore_mem>>) src(%dma_wait3A_222 : memref<100000x128xf32, #tpu.memory_space<hbm>>) dst(%dma_wait3A_216 : memref<128x128xf32, #tpu.memory_space<vmem>>)
      %mul3A_223 = arith.constant 128 : i32
      %mul3A_224 = arith.muli %add3A_211, %mul3A_223 : i32
      %add3A_225 = arith.addi %mul3A_2, %mul3A_224 : i32
      %run_scoped3A_226 = arith.constant 2 : i32
      "tpu.region"() ({
        %run_scoped3A_304 = tpu.sem_alloc : memref<!tpu.dma_semaphore, #tpu.memory_space<semaphore_mem>>
        %dma_start3A_305 = arith.constant 0 : i32
        %dma_start3A_306 = arith.constant 0 : i32
        %dma_start3A_307 = tpu.memref_slice %arg6[%run_scoped3A_226, %dma_start3A_305, %dma_start3A_306] : memref<5x128x128xf32, #tpu.memory_space<vmem>> -> memref<1x128x128xf32, #tpu.memory_space<vmem>>
        %dma_start3A_308 = tpu.memref_squeeze %dma_start3A_307 : memref<1x128x128xf32, #tpu.memory_space<vmem>> -> memref<128x128xf32, #tpu.memory_space<vmem>>
        %dma_start3A_309 = arith.constant 0 : i32
        %dma_start3A_310 = tpu.memref_slice %arg4[%add3A_225, %dma_start3A_309] : memref<204800x128xf32, #tpu.memory_space<hbm>> -> memref<128x128xf32, #tpu.memory_space<hbm>>
        %dma_start3A_311 = arith.constant 0 : i32
        %dma_start3A_312 = tpu.memref_slice %arg4[%add3A_225, %dma_start3A_311] : memref<204800x128xf32, #tpu.memory_space<hbm>> -> memref<128x128xf32, #tpu.memory_space<hbm>>
        %dma_start3A_313 = arith.constant 0 : i32
        %dma_start3A_314 = arith.constant 0 : i32
        %dma_start3A_315 = tpu.memref_slice %arg6[%run_scoped3A_226, %dma_start3A_313, %dma_start3A_314] : memref<5x128x128xf32, #tpu.memory_space<vmem>> -> memref<1x128x128xf32, #tpu.memory_space<vmem>>
        %dma_start3A_316 = tpu.memref_squeeze %dma_start3A_315 : memref<1x128x128xf32, #tpu.memory_space<vmem>> -> memref<128x128xf32, #tpu.memory_space<vmem>>
        tpu.enqueue_dma source(%dma_start3A_316 : memref<128x128xf32, #tpu.memory_space<vmem>>) target(%dma_start3A_312 : memref<128x128xf32, #tpu.memory_space<hbm>>) target_semaphore(%run_scoped3A_304 : memref<!tpu.dma_semaphore, #tpu.memory_space<semaphore_mem>>)
        %dma_wait3A_317 = arith.constant 0 : i32
        %dma_wait3A_318 = arith.constant 0 : i32
        %dma_wait3A_319 = tpu.memref_slice %arg6[%run_scoped3A_226, %dma_wait3A_317, %dma_wait3A_318] : memref<5x128x128xf32, #tpu.memory_space<vmem>> -> memref<1x128x128xf32, #tpu.memory_space<vmem>>
        %dma_wait3A_320 = tpu.memref_squeeze %dma_wait3A_319 : memref<1x128x128xf32, #tpu.memory_space<vmem>> -> memref<128x128xf32, #tpu.memory_space<vmem>>
        %dma_wait3A_321 = arith.constant 0 : i32
        %dma_wait3A_322 = tpu.memref_slice %arg4[%add3A_225, %dma_wait3A_321] : memref<204800x128xf32, #tpu.memory_space<hbm>> -> memref<128x128xf32, #tpu.memory_space<hbm>>
        %dma_wait3A_323 = arith.constant 0 : i32
        %dma_wait3A_324 = tpu.memref_slice %arg4[%add3A_225, %dma_wait3A_323] : memref<204800x128xf32, #tpu.memory_space<hbm>> -> memref<128x128xf32, #tpu.memory_space<hbm>>
        %dma_wait3A_325 = arith.constant 0 : i32
        %dma_wait3A_326 = arith.constant 0 : i32
        %dma_wait3A_327 = tpu.memref_slice %arg6[%run_scoped3A_226, %dma_wait3A_325, %dma_wait3A_326] : memref<5x128x128xf32, #tpu.memory_space<vmem>> -> memref<1x128x128xf32, #tpu.memory_space<vmem>>
        %dma_wait3A_328 = tpu.memref_squeeze %dma_wait3A_327 : memref<1x128x128xf32, #tpu.memory_space<vmem>> -> memref<128x128xf32, #tpu.memory_space<vmem>>
        tpu.wait_dma2 semaphore(%run_scoped3A_304 : memref<!tpu.dma_semaphore, #tpu.memory_space<semaphore_mem>>) src(%dma_wait3A_328 : memref<128x128xf32, #tpu.memory_space<vmem>>) dst(%dma_wait3A_324 : memref<128x128xf32, #tpu.memory_space<hbm>>)
        tpu.yield
      }) : () -> ()
      %add3A_227 = arith.constant 5 : i32
      %add3A_228 = arith.addi %add3A_211, %add3A_227 : i32
      %dma_start3A_229 = arith.constant 2 : i32
      %dma_start3A_230 = arith.constant 0 : i32
      %dma_start3A_231 = arith.constant 0 : i32
      %dma_start3A_232 = tpu.memref_slice %arg6[%dma_start3A_229, %dma_start3A_230, %dma_start3A_231] : memref<5x128x128xf32, #tpu.memory_space<vmem>> -> memref<1x128x128xf32, #tpu.memory_space<vmem>>
      %dma_start3A_233 = tpu.memref_squeeze %dma_start3A_232 : memref<1x128x128xf32, #tpu.memory_space<vmem>> -> memref<128x128xf32, #tpu.memory_space<vmem>>
      %dma_start3A_234 = arith.constant 0 : i32
      %dma_start3A_235 = tpu.memref_slice %arg5[%add3A_228, %dma_start3A_234] : memref<50x128xi32, #tpu.memory_space<vmem>> -> memref<1x128xi32, #tpu.memory_space<vmem>>
      %dma_start3A_236 = tpu.memref_squeeze %dma_start3A_235 : memref<1x128xi32, #tpu.memory_space<vmem>> -> memref<128xi32, #tpu.memory_space<vmem>>
      %dma_start3A_237 = arith.constant 0 : i32
      %dma_start3A_238 = arith.constant 0 : i32
      %dma_start3A_239 = tpu.memref_slice %arg3[%dma_start3A_237, %dma_start3A_238] : memref<100000x128xf32, #tpu.memory_space<hbm>> -> memref<100000x128xf32, #tpu.memory_space<hbm>>
      tpu.enqueue_indirect_dma source(%dma_start3A_239 : memref<100000x128xf32, #tpu.memory_space<hbm>>) target(%dma_start3A_233 : memref<128x128xf32, #tpu.memory_space<vmem>>) offsets(%dma_start3A_236 : memref<128xi32, #tpu.memory_space<vmem>>) semaphore(%arg9 : memref<!tpu.dma_semaphore, #tpu.memory_space<semaphore_mem>>)
      %mul3A_240 = arith.constant 5 : i32
      %mul3A_241 = arith.muli %add3A_143, %mul3A_240 : i32
      %add3A_242 = arith.constant 3 : i32
      %add3A_243 = arith.addi %mul3A_241, %add3A_242 : i32
      %dma_wait3A_244 = arith.constant 3 : i32
      %dma_wait3A_245 = arith.constant 0 : i32
      %dma_wait3A_246 = arith.constant 0 : i32
      %dma_wait3A_247 = tpu.memref_slice %arg6[%dma_wait3A_244, %dma_wait3A_245, %dma_wait3A_246] : memref<5x128x128xf32, #tpu.memory_space<vmem>> -> memref<1x128x128xf32, #tpu.memory_space<vmem>>
      %dma_wait3A_248 = tpu.memref_squeeze %dma_wait3A_247 : memref<1x128x128xf32, #tpu.memory_space<vmem>> -> memref<128x128xf32, #tpu.memory_space<vmem>>
      %dma_wait3A_249 = arith.constant 0 : i32
      %dma_wait3A_250 = tpu.memref_slice %arg5[%add3A_243, %dma_wait3A_249] : memref<50x128xi32, #tpu.memory_space<vmem>> -> memref<1x128xi32, #tpu.memory_space<vmem>>
      %dma_wait3A_251 = tpu.memref_squeeze %dma_wait3A_250 : memref<1x128xi32, #tpu.memory_space<vmem>> -> memref<128xi32, #tpu.memory_space<vmem>>
      %dma_wait3A_252 = arith.constant 0 : i32
      %dma_wait3A_253 = arith.constant 0 : i32
      %dma_wait3A_254 = tpu.memref_slice %arg3[%dma_wait3A_252, %dma_wait3A_253] : memref<100000x128xf32, #tpu.memory_space<hbm>> -> memref<100000x128xf32, #tpu.memory_space<hbm>>
      tpu.wait_indirect_dma semaphore(%arg10 : memref<!tpu.dma_semaphore, #tpu.memory_space<semaphore_mem>>) src(%dma_wait3A_254 : memref<100000x128xf32, #tpu.memory_space<hbm>>) dst(%dma_wait3A_248 : memref<128x128xf32, #tpu.memory_space<vmem>>)
      %mul3A_255 = arith.constant 128 : i32
      %mul3A_256 = arith.muli %add3A_243, %mul3A_255 : i32
      %add3A_257 = arith.addi %mul3A_2, %mul3A_256 : i32
      %run_scoped3A_258 = arith.constant 3 : i32
      "tpu.region"() ({
        %run_scoped3A_304 = tpu.sem_alloc : memref<!tpu.dma_semaphore, #tpu.memory_space<semaphore_mem>>
        %dma_start3A_305 = arith.constant 0 : i32
        %dma_start3A_306 = arith.constant 0 : i32
        %dma_start3A_307 = tpu.memref_slice %arg6[%run_scoped3A_258, %dma_start3A_305, %dma_start3A_306] : memref<5x128x128xf32, #tpu.memory_space<vmem>> -> memref<1x128x128xf32, #tpu.memory_space<vmem>>
        %dma_start3A_308 = tpu.memref_squeeze %dma_start3A_307 : memref<1x128x128xf32, #tpu.memory_space<vmem>> -> memref<128x128xf32, #tpu.memory_space<vmem>>
        %dma_start3A_309 = arith.constant 0 : i32
        %dma_start3A_310 = tpu.memref_slice %arg4[%add3A_257, %dma_start3A_309] : memref<204800x128xf32, #tpu.memory_space<hbm>> -> memref<128x128xf32, #tpu.memory_space<hbm>>
        %dma_start3A_311 = arith.constant 0 : i32
        %dma_start3A_312 = tpu.memref_slice %arg4[%add3A_257, %dma_start3A_311] : memref<204800x128xf32, #tpu.memory_space<hbm>> -> memref<128x128xf32, #tpu.memory_space<hbm>>
        %dma_start3A_313 = arith.constant 0 : i32
        %dma_start3A_314 = arith.constant 0 : i32
        %dma_start3A_315 = tpu.memref_slice %arg6[%run_scoped3A_258, %dma_start3A_313, %dma_start3A_314] : memref<5x128x128xf32, #tpu.memory_space<vmem>> -> memref<1x128x128xf32, #tpu.memory_space<vmem>>
        %dma_start3A_316 = tpu.memref_squeeze %dma_start3A_315 : memref<1x128x128xf32, #tpu.memory_space<vmem>> -> memref<128x128xf32, #tpu.memory_space<vmem>>
        tpu.enqueue_dma source(%dma_start3A_316 : memref<128x128xf32, #tpu.memory_space<vmem>>) target(%dma_start3A_312 : memref<128x128xf32, #tpu.memory_space<hbm>>) target_semaphore(%run_scoped3A_304 : memref<!tpu.dma_semaphore, #tpu.memory_space<semaphore_mem>>)
        %dma_wait3A_317 = arith.constant 0 : i32
        %dma_wait3A_318 = arith.constant 0 : i32
        %dma_wait3A_319 = tpu.memref_slice %arg6[%run_scoped3A_258, %dma_wait3A_317, %dma_wait3A_318] : memref<5x128x128xf32, #tpu.memory_space<vmem>> -> memref<1x128x128xf32, #tpu.memory_space<vmem>>
        %dma_wait3A_320 = tpu.memref_squeeze %dma_wait3A_319 : memref<1x128x128xf32, #tpu.memory_space<vmem>> -> memref<128x128xf32, #tpu.memory_space<vmem>>
        %dma_wait3A_321 = arith.constant 0 : i32
        %dma_wait3A_322 = tpu.memref_slice %arg4[%add3A_257, %dma_wait3A_321] : memref<204800x128xf32, #tpu.memory_space<hbm>> -> memref<128x128xf32, #tpu.memory_space<hbm>>
        %dma_wait3A_323 = arith.constant 0 : i32
        %dma_wait3A_324 = tpu.memref_slice %arg4[%add3A_257, %dma_wait3A_323] : memref<204800x128xf32, #tpu.memory_space<hbm>> -> memref<128x128xf32, #tpu.memory_space<hbm>>
        %dma_wait3A_325 = arith.constant 0 : i32
        %dma_wait3A_326 = arith.constant 0 : i32
        %dma_wait3A_327 = tpu.memref_slice %arg6[%run_scoped3A_258, %dma_wait3A_325, %dma_wait3A_326] : memref<5x128x128xf32, #tpu.memory_space<vmem>> -> memref<1x128x128xf32, #tpu.memory_space<vmem>>
        %dma_wait3A_328 = tpu.memref_squeeze %dma_wait3A_327 : memref<1x128x128xf32, #tpu.memory_space<vmem>> -> memref<128x128xf32, #tpu.memory_space<vmem>>
        tpu.wait_dma2 semaphore(%run_scoped3A_304 : memref<!tpu.dma_semaphore, #tpu.memory_space<semaphore_mem>>) src(%dma_wait3A_328 : memref<128x128xf32, #tpu.memory_space<vmem>>) dst(%dma_wait3A_324 : memref<128x128xf32, #tpu.memory_space<hbm>>)
        tpu.yield
      }) : () -> ()
      %add3A_259 = arith.constant 5 : i32
      %add3A_260 = arith.addi %add3A_243, %add3A_259 : i32
      %dma_start3A_261 = arith.constant 3 : i32
      %dma_start3A_262 = arith.constant 0 : i32
      %dma_start3A_263 = arith.constant 0 : i32
      %dma_start3A_264 = tpu.memref_slice %arg6[%dma_start3A_261, %dma_start3A_262, %dma_start3A_263] : memref<5x128x128xf32, #tpu.memory_space<vmem>> -> memref<1x128x128xf32, #tpu.memory_space<vmem>>
      %dma_start3A_265 = tpu.memref_squeeze %dma_start3A_264 : memref<1x128x128xf32, #tpu.memory_space<vmem>> -> memref<128x128xf32, #tpu.memory_space<vmem>>
      %dma_start3A_266 = arith.constant 0 : i32
      %dma_start3A_267 = tpu.memref_slice %arg5[%add3A_260, %dma_start3A_266] : memref<50x128xi32, #tpu.memory_space<vmem>> -> memref<1x128xi32, #tpu.memory_space<vmem>>
      %dma_start3A_268 = tpu.memref_squeeze %dma_start3A_267 : memref<1x128xi32, #tpu.memory_space<vmem>> -> memref<128xi32, #tpu.memory_space<vmem>>
      %dma_start3A_269 = arith.constant 0 : i32
      %dma_start3A_270 = arith.constant 0 : i32
      %dma_start3A_271 = tpu.memref_slice %arg3[%dma_start3A_269, %dma_start3A_270] : memref<100000x128xf32, #tpu.memory_space<hbm>> -> memref<100000x128xf32, #tpu.memory_space<hbm>>
      tpu.enqueue_indirect_dma source(%dma_start3A_271 : memref<100000x128xf32, #tpu.memory_space<hbm>>) target(%dma_start3A_265 : memref<128x128xf32, #tpu.memory_space<vmem>>) offsets(%dma_start3A_268 : memref<128xi32, #tpu.memory_space<vmem>>) semaphore(%arg10 : memref<!tpu.dma_semaphore, #tpu.memory_space<semaphore_mem>>)
      %mul3A_272 = arith.constant 5 : i32
      %mul3A_273 = arith.muli %add3A_143, %mul3A_272 : i32
      %add3A_274 = arith.constant 4 : i32
      %add3A_275 = arith.addi %mul3A_273, %add3A_274 : i32
      %dma_wait3A_276 = arith.constant 4 : i32
      %dma_wait3A_277 = arith.constant 0 : i32
      %dma_wait3A_278 = arith.constant 0 : i32
      %dma_wait3A_279 = tpu.memref_slice %arg6[%dma_wait3A_276, %dma_wait3A_277, %dma_wait3A_278] : memref<5x128x128xf32, #tpu.memory_space<vmem>> -> memref<1x128x128xf32, #tpu.memory_space<vmem>>
      %dma_wait3A_280 = tpu.memref_squeeze %dma_wait3A_279 : memref<1x128x128xf32, #tpu.memory_space<vmem>> -> memref<128x128xf32, #tpu.memory_space<vmem>>
      %dma_wait3A_281 = arith.constant 0 : i32
      %dma_wait3A_282 = tpu.memref_slice %arg5[%add3A_275, %dma_wait3A_281] : memref<50x128xi32, #tpu.memory_space<vmem>> -> memref<1x128xi32, #tpu.memory_space<vmem>>
      %dma_wait3A_283 = tpu.memref_squeeze %dma_wait3A_282 : memref<1x128xi32, #tpu.memory_space<vmem>> -> memref<128xi32, #tpu.memory_space<vmem>>
      %dma_wait3A_284 = arith.constant 0 : i32
      %dma_wait3A_285 = arith.constant 0 : i32
      %dma_wait3A_286 = tpu.memref_slice %arg3[%dma_wait3A_284, %dma_wait3A_285] : memref<100000x128xf32, #tpu.memory_space<hbm>> -> memref<100000x128xf32, #tpu.memory_space<hbm>>
      tpu.wait_indirect_dma semaphore(%arg11 : memref<!tpu.dma_semaphore, #tpu.memory_space<semaphore_mem>>) src(%dma_wait3A_286 : memref<100000x128xf32, #tpu.memory_space<hbm>>) dst(%dma_wait3A_280 : memref<128x128xf32, #tpu.memory_space<vmem>>)
      %mul3A_287 = arith.constant 128 : i32
      %mul3A_288 = arith.muli %add3A_275, %mul3A_287 : i32
      %add3A_289 = arith.addi %mul3A_2, %mul3A_288 : i32
      %run_scoped3A_290 = arith.constant 4 : i32
      "tpu.region"() ({
        %run_scoped3A_304 = tpu.sem_alloc : memref<!tpu.dma_semaphore, #tpu.memory_space<semaphore_mem>>
        %dma_start3A_305 = arith.constant 0 : i32
        %dma_start3A_306 = arith.constant 0 : i32
        %dma_start3A_307 = tpu.memref_slice %arg6[%run_scoped3A_290, %dma_start3A_305, %dma_start3A_306] : memref<5x128x128xf32, #tpu.memory_space<vmem>> -> memref<1x128x128xf32, #tpu.memory_space<vmem>>
        %dma_start3A_308 = tpu.memref_squeeze %dma_start3A_307 : memref<1x128x128xf32, #tpu.memory_space<vmem>> -> memref<128x128xf32, #tpu.memory_space<vmem>>
        %dma_start3A_309 = arith.constant 0 : i32
        %dma_start3A_310 = tpu.memref_slice %arg4[%add3A_289, %dma_start3A_309] : memref<204800x128xf32, #tpu.memory_space<hbm>> -> memref<128x128xf32, #tpu.memory_space<hbm>>
        %dma_start3A_311 = arith.constant 0 : i32
        %dma_start3A_312 = tpu.memref_slice %arg4[%add3A_289, %dma_start3A_311] : memref<204800x128xf32, #tpu.memory_space<hbm>> -> memref<128x128xf32, #tpu.memory_space<hbm>>
        %dma_start3A_313 = arith.constant 0 : i32
        %dma_start3A_314 = arith.constant 0 : i32
        %dma_start3A_315 = tpu.memref_slice %arg6[%run_scoped3A_290, %dma_start3A_313, %dma_start3A_314] : memref<5x128x128xf32, #tpu.memory_space<vmem>> -> memref<1x128x128xf32, #tpu.memory_space<vmem>>
        %dma_start3A_316 = tpu.memref_squeeze %dma_start3A_315 : memref<1x128x128xf32, #tpu.memory_space<vmem>> -> memref<128x128xf32, #tpu.memory_space<vmem>>
        tpu.enqueue_dma source(%dma_start3A_316 : memref<128x128xf32, #tpu.memory_space<vmem>>) target(%dma_start3A_312 : memref<128x128xf32, #tpu.memory_space<hbm>>) target_semaphore(%run_scoped3A_304 : memref<!tpu.dma_semaphore, #tpu.memory_space<semaphore_mem>>)
        %dma_wait3A_317 = arith.constant 0 : i32
        %dma_wait3A_318 = arith.constant 0 : i32
        %dma_wait3A_319 = tpu.memref_slice %arg6[%run_scoped3A_290, %dma_wait3A_317, %dma_wait3A_318] : memref<5x128x128xf32, #tpu.memory_space<vmem>> -> memref<1x128x128xf32, #tpu.memory_space<vmem>>
        %dma_wait3A_320 = tpu.memref_squeeze %dma_wait3A_319 : memref<1x128x128xf32, #tpu.memory_space<vmem>> -> memref<128x128xf32, #tpu.memory_space<vmem>>
        %dma_wait3A_321 = arith.constant 0 : i32
        %dma_wait3A_322 = tpu.memref_slice %arg4[%add3A_289, %dma_wait3A_321] : memref<204800x128xf32, #tpu.memory_space<hbm>> -> memref<128x128xf32, #tpu.memory_space<hbm>>
        %dma_wait3A_323 = arith.constant 0 : i32
        %dma_wait3A_324 = tpu.memref_slice %arg4[%add3A_289, %dma_wait3A_323] : memref<204800x128xf32, #tpu.memory_space<hbm>> -> memref<128x128xf32, #tpu.memory_space<hbm>>
        %dma_wait3A_325 = arith.constant 0 : i32
        %dma_wait3A_326 = arith.constant 0 : i32
        %dma_wait3A_327 = tpu.memref_slice %arg6[%run_scoped3A_290, %dma_wait3A_325, %dma_wait3A_326] : memref<5x128x128xf32, #tpu.memory_space<vmem>> -> memref<1x128x128xf32, #tpu.memory_space<vmem>>
        %dma_wait3A_328 = tpu.memref_squeeze %dma_wait3A_327 : memref<1x128x128xf32, #tpu.memory_space<vmem>> -> memref<128x128xf32, #tpu.memory_space<vmem>>
        tpu.wait_dma2 semaphore(%run_scoped3A_304 : memref<!tpu.dma_semaphore, #tpu.memory_space<semaphore_mem>>) src(%dma_wait3A_328 : memref<128x128xf32, #tpu.memory_space<vmem>>) dst(%dma_wait3A_324 : memref<128x128xf32, #tpu.memory_space<hbm>>)
        tpu.yield
      }) : () -> ()
      %add3A_291 = arith.constant 5 : i32
      %add3A_292 = arith.addi %add3A_275, %add3A_291 : i32
      %dma_start3A_293 = arith.constant 4 : i32
      %dma_start3A_294 = arith.constant 0 : i32
      %dma_start3A_295 = arith.constant 0 : i32
      %dma_start3A_296 = tpu.memref_slice %arg6[%dma_start3A_293, %dma_start3A_294, %dma_start3A_295] : memref<5x128x128xf32, #tpu.memory_space<vmem>> -> memref<1x128x128xf32, #tpu.memory_space<vmem>>
      %dma_start3A_297 = tpu.memref_squeeze %dma_start3A_296 : memref<1x128x128xf32, #tpu.memory_space<vmem>> -> memref<128x128xf32, #tpu.memory_space<vmem>>
      %dma_start3A_298 = arith.constant 0 : i32
      %dma_start3A_299 = tpu.memref_slice %arg5[%add3A_292, %dma_start3A_298] : memref<50x128xi32, #tpu.memory_space<vmem>> -> memref<1x128xi32, #tpu.memory_space<vmem>>
      %dma_start3A_300 = tpu.memref_squeeze %dma_start3A_299 : memref<1x128xi32, #tpu.memory_space<vmem>> -> memref<128xi32, #tpu.memory_space<vmem>>
      %dma_start3A_301 = arith.constant 0 : i32
      %dma_start3A_302 = arith.constant 0 : i32
      %dma_start3A_303 = tpu.memref_slice %arg3[%dma_start3A_301, %dma_start3A_302] : memref<100000x128xf32, #tpu.memory_space<hbm>> -> memref<100000x128xf32, #tpu.memory_space<hbm>>
      tpu.enqueue_indirect_dma source(%dma_start3A_303 : memref<100000x128xf32, #tpu.memory_space<hbm>>) target(%dma_start3A_297 : memref<128x128xf32, #tpu.memory_space<vmem>>) offsets(%dma_start3A_300 : memref<128xi32, #tpu.memory_space<vmem>>) semaphore(%arg11 : memref<!tpu.dma_semaphore, #tpu.memory_space<semaphore_mem>>)
    }
    %scan3A_65 = arith.constant 9 : i32
    %dma_wait3A = arith.constant 45 : i32
    %dma_wait3A_66 = arith.constant 0 : i32
    %dma_wait3A_67 = arith.constant 0 : i32
    %dma_wait3A_68 = arith.constant 0 : i32
    %dma_wait3A_69 = tpu.memref_slice %arg6[%dma_wait3A_66, %dma_wait3A_67, %dma_wait3A_68] : memref<5x128x128xf32, #tpu.memory_space<vmem>> -> memref<1x128x128xf32, #tpu.memory_space<vmem>>
    %dma_wait3A_70 = tpu.memref_squeeze %dma_wait3A_69 : memref<1x128x128xf32, #tpu.memory_space<vmem>> -> memref<128x128xf32, #tpu.memory_space<vmem>>
    %dma_wait3A_71 = arith.constant 0 : i32
    %dma_wait3A_72 = tpu.memref_slice %arg5[%dma_wait3A, %dma_wait3A_71] : memref<50x128xi32, #tpu.memory_space<vmem>> -> memref<1x128xi32, #tpu.memory_space<vmem>>
    %dma_wait3A_73 = tpu.memref_squeeze %dma_wait3A_72 : memref<1x128xi32, #tpu.memory_space<vmem>> -> memref<128xi32, #tpu.memory_space<vmem>>
    %dma_wait3A_74 = arith.constant 0 : i32
    %dma_wait3A_75 = arith.constant 0 : i32
    %dma_wait3A_76 = tpu.memref_slice %arg3[%dma_wait3A_74, %dma_wait3A_75] : memref<100000x128xf32, #tpu.memory_space<hbm>> -> memref<100000x128xf32, #tpu.memory_space<hbm>>
    tpu.wait_indirect_dma semaphore(%arg7 : memref<!tpu.dma_semaphore, #tpu.memory_space<semaphore_mem>>) src(%dma_wait3A_76 : memref<100000x128xf32, #tpu.memory_space<hbm>>) dst(%dma_wait3A_70 : memref<128x128xf32, #tpu.memory_space<vmem>>)
    %add3A_77 = arith.constant 5760 : i32
    %add3A_78 = arith.addi %mul3A_2, %add3A_77 : i32
    %run_scoped3A = arith.constant 0 : i32
    "tpu.region"() ({
      %run_scoped3A_139 = tpu.sem_alloc : memref<!tpu.dma_semaphore, #tpu.memory_space<semaphore_mem>>
      %dma_start3A_140 = arith.constant 0 : i32
      %dma_start3A_141 = arith.constant 0 : i32
      %dma_start3A_142 = tpu.memref_slice %arg6[%run_scoped3A, %dma_start3A_140, %dma_start3A_141] : memref<5x128x128xf32, #tpu.memory_space<vmem>> -> memref<1x128x128xf32, #tpu.memory_space<vmem>>
      %dma_start3A_143 = tpu.memref_squeeze %dma_start3A_142 : memref<1x128x128xf32, #tpu.memory_space<vmem>> -> memref<128x128xf32, #tpu.memory_space<vmem>>
      %dma_start3A_144 = arith.constant 0 : i32
      %dma_start3A_145 = tpu.memref_slice %arg4[%add3A_78, %dma_start3A_144] : memref<204800x128xf32, #tpu.memory_space<hbm>> -> memref<128x128xf32, #tpu.memory_space<hbm>>
      %dma_start3A_146 = arith.constant 0 : i32
      %dma_start3A_147 = tpu.memref_slice %arg4[%add3A_78, %dma_start3A_146] : memref<204800x128xf32, #tpu.memory_space<hbm>> -> memref<128x128xf32, #tpu.memory_space<hbm>>
      %dma_start3A_148 = arith.constant 0 : i32
      %dma_start3A_149 = arith.constant 0 : i32
      %dma_start3A_150 = tpu.memref_slice %arg6[%run_scoped3A, %dma_start3A_148, %dma_start3A_149] : memref<5x128x128xf32, #tpu.memory_space<vmem>> -> memref<1x128x128xf32, #tpu.memory_space<vmem>>
      %dma_start3A_151 = tpu.memref_squeeze %dma_start3A_150 : memref<1x128x128xf32, #tpu.memory_space<vmem>> -> memref<128x128xf32, #tpu.memory_space<vmem>>
      tpu.enqueue_dma source(%dma_start3A_151 : memref<128x128xf32, #tpu.memory_space<vmem>>) target(%dma_start3A_147 : memref<128x128xf32, #tpu.memory_space<hbm>>) target_semaphore(%run_scoped3A_139 : memref<!tpu.dma_semaphore, #tpu.memory_space<semaphore_mem>>)
      %dma_wait3A_152 = arith.constant 0 : i32
      %dma_wait3A_153 = arith.constant 0 : i32
      %dma_wait3A_154 = tpu.memref_slice %arg6[%run_scoped3A, %dma_wait3A_152, %dma_wait3A_153] : memref<5x128x128xf32, #tpu.memory_space<vmem>> -> memref<1x128x128xf32, #tpu.memory_space<vmem>>
      %dma_wait3A_155 = tpu.memref_squeeze %dma_wait3A_154 : memref<1x128x128xf32, #tpu.memory_space<vmem>> -> memref<128x128xf32, #tpu.memory_space<vmem>>
      %dma_wait3A_156 = arith.constant 0 : i32
      %dma_wait3A_157 = tpu.memref_slice %arg4[%add3A_78, %dma_wait3A_156] : memref<204800x128xf32, #tpu.memory_space<hbm>> -> memref<128x128xf32, #tpu.memory_space<hbm>>
      %dma_wait3A_158 = arith.constant 0 : i32
      %dma_wait3A_159 = tpu.memref_slice %arg4[%add3A_78, %dma_wait3A_158] : memref<204800x128xf32, #tpu.memory_space<hbm>> -> memref<128x128xf32, #tpu.memory_space<hbm>>
      %dma_wait3A_160 = arith.constant 0 : i32
      %dma_wait3A_161 = arith.constant 0 : i32
      %dma_wait3A_162 = tpu.memref_slice %arg6[%run_scoped3A, %dma_wait3A_160, %dma_wait3A_161] : memref<5x128x128xf32, #tpu.memory_space<vmem>> -> memref<1x128x128xf32, #tpu.memory_space<vmem>>
      %dma_wait3A_163 = tpu.memref_squeeze %dma_wait3A_162 : memref<1x128x128xf32, #tpu.memory_space<vmem>> -> memref<128x128xf32, #tpu.memory_space<vmem>>
      tpu.wait_dma2 semaphore(%run_scoped3A_139 : memref<!tpu.dma_semaphore, #tpu.memory_space<semaphore_mem>>) src(%dma_wait3A_163 : memref<128x128xf32, #tpu.memory_space<vmem>>) dst(%dma_wait3A_159 : memref<128x128xf32, #tpu.memory_space<hbm>>)
      tpu.yield
    }) : () -> ()
    %dma_wait3A_79 = arith.constant 46 : i32
    %dma_wait3A_80 = arith.constant 1 : i32
    %dma_wait3A_81 = arith.constant 0 : i32
    %dma_wait3A_82 = arith.constant 0 : i32
    %dma_wait3A_83 = tpu.memref_slice %arg6[%dma_wait3A_80, %dma_wait3A_81, %dma_wait3A_82] : memref<5x128x128xf32, #tpu.memory_space<vmem>> -> memref<1x128x128xf32, #tpu.memory_space<vmem>>
    %dma_wait3A_84 = tpu.memref_squeeze %dma_wait3A_83 : memref<1x128x128xf32, #tpu.memory_space<vmem>> -> memref<128x128xf32, #tpu.memory_space<vmem>>
    %dma_wait3A_85 = arith.constant 0 : i32
    %dma_wait3A_86 = tpu.memref_slice %arg5[%dma_wait3A_79, %dma_wait3A_85] : memref<50x128xi32, #tpu.memory_space<vmem>> -> memref<1x128xi32, #tpu.memory_space<vmem>>
    %dma_wait3A_87 = tpu.memref_squeeze %dma_wait3A_86 : memref<1x128xi32, #tpu.memory_space<vmem>> -> memref<128xi32, #tpu.memory_space<vmem>>
    %dma_wait3A_88 = arith.constant 0 : i32
    %dma_wait3A_89 = arith.constant 0 : i32
    %dma_wait3A_90 = tpu.memref_slice %arg3[%dma_wait3A_88, %dma_wait3A_89] : memref<100000x128xf32, #tpu.memory_space<hbm>> -> memref<100000x128xf32, #tpu.memory_space<hbm>>
    tpu.wait_indirect_dma semaphore(%arg8 : memref<!tpu.dma_semaphore, #tpu.memory_space<semaphore_mem>>) src(%dma_wait3A_90 : memref<100000x128xf32, #tpu.memory_space<hbm>>) dst(%dma_wait3A_84 : memref<128x128xf32, #tpu.memory_space<vmem>>)
    %add3A_91 = arith.constant 5888 : i32
    %add3A_92 = arith.addi %mul3A_2, %add3A_91 : i32
    %run_scoped3A_93 = arith.constant 1 : i32
    "tpu.region"() ({
      %run_scoped3A_139 = tpu.sem_alloc : memref<!tpu.dma_semaphore, #tpu.memory_space<semaphore_mem>>
      %dma_start3A_140 = arith.constant 0 : i32
      %dma_start3A_141 = arith.constant 0 : i32
      %dma_start3A_142 = tpu.memref_slice %arg6[%run_scoped3A_93, %dma_start3A_140, %dma_start3A_141] : memref<5x128x128xf32, #tpu.memory_space<vmem>> -> memref<1x128x128xf32, #tpu.memory_space<vmem>>
      %dma_start3A_143 = tpu.memref_squeeze %dma_start3A_142 : memref<1x128x128xf32, #tpu.memory_space<vmem>> -> memref<128x128xf32, #tpu.memory_space<vmem>>
      %dma_start3A_144 = arith.constant 0 : i32
      %dma_start3A_145 = tpu.memref_slice %arg4[%add3A_92, %dma_start3A_144] : memref<204800x128xf32, #tpu.memory_space<hbm>> -> memref<128x128xf32, #tpu.memory_space<hbm>>
      %dma_start3A_146 = arith.constant 0 : i32
      %dma_start3A_147 = tpu.memref_slice %arg4[%add3A_92, %dma_start3A_146] : memref<204800x128xf32, #tpu.memory_space<hbm>> -> memref<128x128xf32, #tpu.memory_space<hbm>>
      %dma_start3A_148 = arith.constant 0 : i32
      %dma_start3A_149 = arith.constant 0 : i32
      %dma_start3A_150 = tpu.memref_slice %arg6[%run_scoped3A_93, %dma_start3A_148, %dma_start3A_149] : memref<5x128x128xf32, #tpu.memory_space<vmem>> -> memref<1x128x128xf32, #tpu.memory_space<vmem>>
      %dma_start3A_151 = tpu.memref_squeeze %dma_start3A_150 : memref<1x128x128xf32, #tpu.memory_space<vmem>> -> memref<128x128xf32, #tpu.memory_space<vmem>>
      tpu.enqueue_dma source(%dma_start3A_151 : memref<128x128xf32, #tpu.memory_space<vmem>>) target(%dma_start3A_147 : memref<128x128xf32, #tpu.memory_space<hbm>>) target_semaphore(%run_scoped3A_139 : memref<!tpu.dma_semaphore, #tpu.memory_space<semaphore_mem>>)
      %dma_wait3A_152 = arith.constant 0 : i32
      %dma_wait3A_153 = arith.constant 0 : i32
      %dma_wait3A_154 = tpu.memref_slice %arg6[%run_scoped3A_93, %dma_wait3A_152, %dma_wait3A_153] : memref<5x128x128xf32, #tpu.memory_space<vmem>> -> memref<1x128x128xf32, #tpu.memory_space<vmem>>
      %dma_wait3A_155 = tpu.memref_squeeze %dma_wait3A_154 : memref<1x128x128xf32, #tpu.memory_space<vmem>> -> memref<128x128xf32, #tpu.memory_space<vmem>>
      %dma_wait3A_156 = arith.constant 0 : i32
      %dma_wait3A_157 = tpu.memref_slice %arg4[%add3A_92, %dma_wait3A_156] : memref<204800x128xf32, #tpu.memory_space<hbm>> -> memref<128x128xf32, #tpu.memory_space<hbm>>
      %dma_wait3A_158 = arith.constant 0 : i32
      %dma_wait3A_159 = tpu.memref_slice %arg4[%add3A_92, %dma_wait3A_158] : memref<204800x128xf32, #tpu.memory_space<hbm>> -> memref<128x128xf32, #tpu.memory_space<hbm>>
      %dma_wait3A_160 = arith.constant 0 : i32
      %dma_wait3A_161 = arith.constant 0 : i32
      %dma_wait3A_162 = tpu.memref_slice %arg6[%run_scoped3A_93, %dma_wait3A_160, %dma_wait3A_161] : memref<5x128x128xf32, #tpu.memory_space<vmem>> -> memref<1x128x128xf32, #tpu.memory_space<vmem>>
      %dma_wait3A_163 = tpu.memref_squeeze %dma_wait3A_162 : memref<1x128x128xf32, #tpu.memory_space<vmem>> -> memref<128x128xf32, #tpu.memory_space<vmem>>
      tpu.wait_dma2 semaphore(%run_scoped3A_139 : memref<!tpu.dma_semaphore, #tpu.memory_space<semaphore_mem>>) src(%dma_wait3A_163 : memref<128x128xf32, #tpu.memory_space<vmem>>) dst(%dma_wait3A_159 : memref<128x128xf32, #tpu.memory_space<hbm>>)
      tpu.yield
    }) : () -> ()
    %dma_wait3A_94 = arith.constant 47 : i32
    %dma_wait3A_95 = arith.constant 2 : i32
    %dma_wait3A_96 = arith.constant 0 : i32
    %dma_wait3A_97 = arith.constant 0 : i32
    %dma_wait3A_98 = tpu.memref_slice %arg6[%dma_wait3A_95, %dma_wait3A_96, %dma_wait3A_97] : memref<5x128x128xf32, #tpu.memory_space<vmem>> -> memref<1x128x128xf32, #tpu.memory_space<vmem>>
    %dma_wait3A_99 = tpu.memref_squeeze %dma_wait3A_98 : memref<1x128x128xf32, #tpu.memory_space<vmem>> -> memref<128x128xf32, #tpu.memory_space<vmem>>
    %dma_wait3A_100 = arith.constant 0 : i32
    %dma_wait3A_101 = tpu.memref_slice %arg5[%dma_wait3A_94, %dma_wait3A_100] : memref<50x128xi32, #tpu.memory_space<vmem>> -> memref<1x128xi32, #tpu.memory_space<vmem>>
    %dma_wait3A_102 = tpu.memref_squeeze %dma_wait3A_101 : memref<1x128xi32, #tpu.memory_space<vmem>> -> memref<128xi32, #tpu.memory_space<vmem>>
    %dma_wait3A_103 = arith.constant 0 : i32
    %dma_wait3A_104 = arith.constant 0 : i32
    %dma_wait3A_105 = tpu.memref_slice %arg3[%dma_wait3A_103, %dma_wait3A_104] : memref<100000x128xf32, #tpu.memory_space<hbm>> -> memref<100000x128xf32, #tpu.memory_space<hbm>>
    tpu.wait_indirect_dma semaphore(%arg9 : memref<!tpu.dma_semaphore, #tpu.memory_space<semaphore_mem>>) src(%dma_wait3A_105 : memref<100000x128xf32, #tpu.memory_space<hbm>>) dst(%dma_wait3A_99 : memref<128x128xf32, #tpu.memory_space<vmem>>)
    %add3A_106 = arith.constant 6016 : i32
    %add3A_107 = arith.addi %mul3A_2, %add3A_106 : i32
    %run_scoped3A_108 = arith.constant 2 : i32
    "tpu.region"() ({
      %run_scoped3A_139 = tpu.sem_alloc : memref<!tpu.dma_semaphore, #tpu.memory_space<semaphore_mem>>
      %dma_start3A_140 = arith.constant 0 : i32
      %dma_start3A_141 = arith.constant 0 : i32
      %dma_start3A_142 = tpu.memref_slice %arg6[%run_scoped3A_108, %dma_start3A_140, %dma_start3A_141] : memref<5x128x128xf32, #tpu.memory_space<vmem>> -> memref<1x128x128xf32, #tpu.memory_space<vmem>>
      %dma_start3A_143 = tpu.memref_squeeze %dma_start3A_142 : memref<1x128x128xf32, #tpu.memory_space<vmem>> -> memref<128x128xf32, #tpu.memory_space<vmem>>
      %dma_start3A_144 = arith.constant 0 : i32
      %dma_start3A_145 = tpu.memref_slice %arg4[%add3A_107, %dma_start3A_144] : memref<204800x128xf32, #tpu.memory_space<hbm>> -> memref<128x128xf32, #tpu.memory_space<hbm>>
      %dma_start3A_146 = arith.constant 0 : i32
      %dma_start3A_147 = tpu.memref_slice %arg4[%add3A_107, %dma_start3A_146] : memref<204800x128xf32, #tpu.memory_space<hbm>> -> memref<128x128xf32, #tpu.memory_space<hbm>>
      %dma_start3A_148 = arith.constant 0 : i32
      %dma_start3A_149 = arith.constant 0 : i32
      %dma_start3A_150 = tpu.memref_slice %arg6[%run_scoped3A_108, %dma_start3A_148, %dma_start3A_149] : memref<5x128x128xf32, #tpu.memory_space<vmem>> -> memref<1x128x128xf32, #tpu.memory_space<vmem>>
      %dma_start3A_151 = tpu.memref_squeeze %dma_start3A_150 : memref<1x128x128xf32, #tpu.memory_space<vmem>> -> memref<128x128xf32, #tpu.memory_space<vmem>>
      tpu.enqueue_dma source(%dma_start3A_151 : memref<128x128xf32, #tpu.memory_space<vmem>>) target(%dma_start3A_147 : memref<128x128xf32, #tpu.memory_space<hbm>>) target_semaphore(%run_scoped3A_139 : memref<!tpu.dma_semaphore, #tpu.memory_space<semaphore_mem>>)
      %dma_wait3A_152 = arith.constant 0 : i32
      %dma_wait3A_153 = arith.constant 0 : i32
      %dma_wait3A_154 = tpu.memref_slice %arg6[%run_scoped3A_108, %dma_wait3A_152, %dma_wait3A_153] : memref<5x128x128xf32, #tpu.memory_space<vmem>> -> memref<1x128x128xf32, #tpu.memory_space<vmem>>
      %dma_wait3A_155 = tpu.memref_squeeze %dma_wait3A_154 : memref<1x128x128xf32, #tpu.memory_space<vmem>> -> memref<128x128xf32, #tpu.memory_space<vmem>>
      %dma_wait3A_156 = arith.constant 0 : i32
      %dma_wait3A_157 = tpu.memref_slice %arg4[%add3A_107, %dma_wait3A_156] : memref<204800x128xf32, #tpu.memory_space<hbm>> -> memref<128x128xf32, #tpu.memory_space<hbm>>
      %dma_wait3A_158 = arith.constant 0 : i32
      %dma_wait3A_159 = tpu.memref_slice %arg4[%add3A_107, %dma_wait3A_158] : memref<204800x128xf32, #tpu.memory_space<hbm>> -> memref<128x128xf32, #tpu.memory_space<hbm>>
      %dma_wait3A_160 = arith.constant 0 : i32
      %dma_wait3A_161 = arith.constant 0 : i32
      %dma_wait3A_162 = tpu.memref_slice %arg6[%run_scoped3A_108, %dma_wait3A_160, %dma_wait3A_161] : memref<5x128x128xf32, #tpu.memory_space<vmem>> -> memref<1x128x128xf32, #tpu.memory_space<vmem>>
      %dma_wait3A_163 = tpu.memref_squeeze %dma_wait3A_162 : memref<1x128x128xf32, #tpu.memory_space<vmem>> -> memref<128x128xf32, #tpu.memory_space<vmem>>
      tpu.wait_dma2 semaphore(%run_scoped3A_139 : memref<!tpu.dma_semaphore, #tpu.memory_space<semaphore_mem>>) src(%dma_wait3A_163 : memref<128x128xf32, #tpu.memory_space<vmem>>) dst(%dma_wait3A_159 : memref<128x128xf32, #tpu.memory_space<hbm>>)
      tpu.yield
    }) : () -> ()
    %dma_wait3A_109 = arith.constant 48 : i32
    %dma_wait3A_110 = arith.constant 3 : i32
    %dma_wait3A_111 = arith.constant 0 : i32
    %dma_wait3A_112 = arith.constant 0 : i32
    %dma_wait3A_113 = tpu.memref_slice %arg6[%dma_wait3A_110, %dma_wait3A_111, %dma_wait3A_112] : memref<5x128x128xf32, #tpu.memory_space<vmem>> -> memref<1x128x128xf32, #tpu.memory_space<vmem>>
    %dma_wait3A_114 = tpu.memref_squeeze %dma_wait3A_113 : memref<1x128x128xf32, #tpu.memory_space<vmem>> -> memref<128x128xf32, #tpu.memory_space<vmem>>
    %dma_wait3A_115 = arith.constant 0 : i32
    %dma_wait3A_116 = tpu.memref_slice %arg5[%dma_wait3A_109, %dma_wait3A_115] : memref<50x128xi32, #tpu.memory_space<vmem>> -> memref<1x128xi32, #tpu.memory_space<vmem>>
    %dma_wait3A_117 = tpu.memref_squeeze %dma_wait3A_116 : memref<1x128xi32, #tpu.memory_space<vmem>> -> memref<128xi32, #tpu.memory_space<vmem>>
    %dma_wait3A_118 = arith.constant 0 : i32
    %dma_wait3A_119 = arith.constant 0 : i32
    %dma_wait3A_120 = tpu.memref_slice %arg3[%dma_wait3A_118, %dma_wait3A_119] : memref<100000x128xf32, #tpu.memory_space<hbm>> -> memref<100000x128xf32, #tpu.memory_space<hbm>>
    tpu.wait_indirect_dma semaphore(%arg10 : memref<!tpu.dma_semaphore, #tpu.memory_space<semaphore_mem>>) src(%dma_wait3A_120 : memref<100000x128xf32, #tpu.memory_space<hbm>>) dst(%dma_wait3A_114 : memref<128x128xf32, #tpu.memory_space<vmem>>)
    %add3A_121 = arith.constant 6144 : i32
    %add3A_122 = arith.addi %mul3A_2, %add3A_121 : i32
    %run_scoped3A_123 = arith.constant 3 : i32
    "tpu.region"() ({
      %run_scoped3A_139 = tpu.sem_alloc : memref<!tpu.dma_semaphore, #tpu.memory_space<semaphore_mem>>
      %dma_start3A_140 = arith.constant 0 : i32
      %dma_start3A_141 = arith.constant 0 : i32
      %dma_start3A_142 = tpu.memref_slice %arg6[%run_scoped3A_123, %dma_start3A_140, %dma_start3A_141] : memref<5x128x128xf32, #tpu.memory_space<vmem>> -> memref<1x128x128xf32, #tpu.memory_space<vmem>>
      %dma_start3A_143 = tpu.memref_squeeze %dma_start3A_142 : memref<1x128x128xf32, #tpu.memory_space<vmem>> -> memref<128x128xf32, #tpu.memory_space<vmem>>
      %dma_start3A_144 = arith.constant 0 : i32
      %dma_start3A_145 = tpu.memref_slice %arg4[%add3A_122, %dma_start3A_144] : memref<204800x128xf32, #tpu.memory_space<hbm>> -> memref<128x128xf32, #tpu.memory_space<hbm>>
      %dma_start3A_146 = arith.constant 0 : i32
      %dma_start3A_147 = tpu.memref_slice %arg4[%add3A_122, %dma_start3A_146] : memref<204800x128xf32, #tpu.memory_space<hbm>> -> memref<128x128xf32, #tpu.memory_space<hbm>>
      %dma_start3A_148 = arith.constant 0 : i32
      %dma_start3A_149 = arith.constant 0 : i32
      %dma_start3A_150 = tpu.memref_slice %arg6[%run_scoped3A_123, %dma_start3A_148, %dma_start3A_149] : memref<5x128x128xf32, #tpu.memory_space<vmem>> -> memref<1x128x128xf32, #tpu.memory_space<vmem>>
      %dma_start3A_151 = tpu.memref_squeeze %dma_start3A_150 : memref<1x128x128xf32, #tpu.memory_space<vmem>> -> memref<128x128xf32, #tpu.memory_space<vmem>>
      tpu.enqueue_dma source(%dma_start3A_151 : memref<128x128xf32, #tpu.memory_space<vmem>>) target(%dma_start3A_147 : memref<128x128xf32, #tpu.memory_space<hbm>>) target_semaphore(%run_scoped3A_139 : memref<!tpu.dma_semaphore, #tpu.memory_space<semaphore_mem>>)
      %dma_wait3A_152 = arith.constant 0 : i32
      %dma_wait3A_153 = arith.constant 0 : i32
      %dma_wait3A_154 = tpu.memref_slice %arg6[%run_scoped3A_123, %dma_wait3A_152, %dma_wait3A_153] : memref<5x128x128xf32, #tpu.memory_space<vmem>> -> memref<1x128x128xf32, #tpu.memory_space<vmem>>
      %dma_wait3A_155 = tpu.memref_squeeze %dma_wait3A_154 : memref<1x128x128xf32, #tpu.memory_space<vmem>> -> memref<128x128xf32, #tpu.memory_space<vmem>>
      %dma_wait3A_156 = arith.constant 0 : i32
      %dma_wait3A_157 = tpu.memref_slice %arg4[%add3A_122, %dma_wait3A_156] : memref<204800x128xf32, #tpu.memory_space<hbm>> -> memref<128x128xf32, #tpu.memory_space<hbm>>
      %dma_wait3A_158 = arith.constant 0 : i32
      %dma_wait3A_159 = tpu.memref_slice %arg4[%add3A_122, %dma_wait3A_158] : memref<204800x128xf32, #tpu.memory_space<hbm>> -> memref<128x128xf32, #tpu.memory_space<hbm>>
      %dma_wait3A_160 = arith.constant 0 : i32
      %dma_wait3A_161 = arith.constant 0 : i32
      %dma_wait3A_162 = tpu.memref_slice %arg6[%run_scoped3A_123, %dma_wait3A_160, %dma_wait3A_161] : memref<5x128x128xf32, #tpu.memory_space<vmem>> -> memref<1x128x128xf32, #tpu.memory_space<vmem>>
      %dma_wait3A_163 = tpu.memref_squeeze %dma_wait3A_162 : memref<1x128x128xf32, #tpu.memory_space<vmem>> -> memref<128x128xf32, #tpu.memory_space<vmem>>
      tpu.wait_dma2 semaphore(%run_scoped3A_139 : memref<!tpu.dma_semaphore, #tpu.memory_space<semaphore_mem>>) src(%dma_wait3A_163 : memref<128x128xf32, #tpu.memory_space<vmem>>) dst(%dma_wait3A_159 : memref<128x128xf32, #tpu.memory_space<hbm>>)
      tpu.yield
    }) : () -> ()
    %dma_wait3A_124 = arith.constant 49 : i32
    %dma_wait3A_125 = arith.constant 4 : i32
    %dma_wait3A_126 = arith.constant 0 : i32
    %dma_wait3A_127 = arith.constant 0 : i32
    %dma_wait3A_128 = tpu.memref_slice %arg6[%dma_wait3A_125, %dma_wait3A_126, %dma_wait3A_127] : memref<5x128x128xf32, #tpu.memory_space<vmem>> -> memref<1x128x128xf32, #tpu.memory_space<vmem>>
    %dma_wait3A_129 = tpu.memref_squeeze %dma_wait3A_128 : memref<1x128x128xf32, #tpu.memory_space<vmem>> -> memref<128x128xf32, #tpu.memory_space<vmem>>
    %dma_wait3A_130 = arith.constant 0 : i32
    %dma_wait3A_131 = tpu.memref_slice %arg5[%dma_wait3A_124, %dma_wait3A_130] : memref<50x128xi32, #tpu.memory_space<vmem>> -> memref<1x128xi32, #tpu.memory_space<vmem>>
    %dma_wait3A_132 = tpu.memref_squeeze %dma_wait3A_131 : memref<1x128xi32, #tpu.memory_space<vmem>> -> memref<128xi32, #tpu.memory_space<vmem>>
    %dma_wait3A_133 = arith.constant 0 : i32
    %dma_wait3A_134 = arith.constant 0 : i32
    %dma_wait3A_135 = tpu.memref_slice %arg3[%dma_wait3A_133, %dma_wait3A_134] : memref<100000x128xf32, #tpu.memory_space<hbm>> -> memref<100000x128xf32, #tpu.memory_space<hbm>>
    tpu.wait_indirect_dma semaphore(%arg11 : memref<!tpu.dma_semaphore, #tpu.memory_space<semaphore_mem>>) src(%dma_wait3A_135 : memref<100000x128xf32, #tpu.memory_space<hbm>>) dst(%dma_wait3A_129 : memref<128x128xf32, #tpu.memory_space<vmem>>)
    %add3A_136 = arith.constant 6272 : i32
    %add3A_137 = arith.addi %mul3A_2, %add3A_136 : i32
    %run_scoped3A_138 = arith.constant 4 : i32
    "tpu.region"() ({
      %run_scoped3A_139 = tpu.sem_alloc : memref<!tpu.dma_semaphore, #tpu.memory_space<semaphore_mem>>
      %dma_start3A_140 = arith.constant 0 : i32
      %dma_start3A_141 = arith.constant 0 : i32
      %dma_start3A_142 = tpu.memref_slice %arg6[%run_scoped3A_138, %dma_start3A_140, %dma_start3A_141] : memref<5x128x128xf32, #tpu.memory_space<vmem>> -> memref<1x128x128xf32, #tpu.memory_space<vmem>>
      %dma_start3A_143 = tpu.memref_squeeze %dma_start3A_142 : memref<1x128x128xf32, #tpu.memory_space<vmem>> -> memref<128x128xf32, #tpu.memory_space<vmem>>
      %dma_start3A_144 = arith.constant 0 : i32
      %dma_start3A_145 = tpu.memref_slice %arg4[%add3A_137, %dma_start3A_144] : memref<204800x128xf32, #tpu.memory_space<hbm>> -> memref<128x128xf32, #tpu.memory_space<hbm>>
      %dma_start3A_146 = arith.constant 0 : i32
      %dma_start3A_147 = tpu.memref_slice %arg4[%add3A_137, %dma_start3A_146] : memref<204800x128xf32, #tpu.memory_space<hbm>> -> memref<128x128xf32, #tpu.memory_space<hbm>>
      %dma_start3A_148 = arith.constant 0 : i32
      %dma_start3A_149 = arith.constant 0 : i32
      %dma_start3A_150 = tpu.memref_slice %arg6[%run_scoped3A_138, %dma_start3A_148, %dma_start3A_149] : memref<5x128x128xf32, #tpu.memory_space<vmem>> -> memref<1x128x128xf32, #tpu.memory_space<vmem>>
      %dma_start3A_151 = tpu.memref_squeeze %dma_start3A_150 : memref<1x128x128xf32, #tpu.memory_space<vmem>> -> memref<128x128xf32, #tpu.memory_space<vmem>>
      tpu.enqueue_dma source(%dma_start3A_151 : memref<128x128xf32, #tpu.memory_space<vmem>>) target(%dma_start3A_147 : memref<128x128xf32, #tpu.memory_space<hbm>>) target_semaphore(%run_scoped3A_139 : memref<!tpu.dma_semaphore, #tpu.memory_space<semaphore_mem>>)
      %dma_wait3A_152 = arith.constant 0 : i32
      %dma_wait3A_153 = arith.constant 0 : i32
      %dma_wait3A_154 = tpu.memref_slice %arg6[%run_scoped3A_138, %dma_wait3A_152, %dma_wait3A_153] : memref<5x128x128xf32, #tpu.memory_space<vmem>> -> memref<1x128x128xf32, #tpu.memory_space<vmem>>
      %dma_wait3A_155 = tpu.memref_squeeze %dma_wait3A_154 : memref<1x128x128xf32, #tpu.memory_space<vmem>> -> memref<128x128xf32, #tpu.memory_space<vmem>>
      %dma_wait3A_156 = arith.constant 0 : i32
      %dma_wait3A_157 = tpu.memref_slice %arg4[%add3A_137, %dma_wait3A_156] : memref<204800x128xf32, #tpu.memory_space<hbm>> -> memref<128x128xf32, #tpu.memory_space<hbm>>
      %dma_wait3A_158 = arith.constant 0 : i32
      %dma_wait3A_159 = tpu.memref_slice %arg4[%add3A_137, %dma_wait3A_158] : memref<204800x128xf32, #tpu.memory_space<hbm>> -> memref<128x128xf32, #tpu.memory_space<hbm>>
      %dma_wait3A_160 = arith.constant 0 : i32
      %dma_wait3A_161 = arith.constant 0 : i32
      %dma_wait3A_162 = tpu.memref_slice %arg6[%run_scoped3A_138, %dma_wait3A_160, %dma_wait3A_161] : memref<5x128x128xf32, #tpu.memory_space<vmem>> -> memref<1x128x128xf32, #tpu.memory_space<vmem>>
      %dma_wait3A_163 = tpu.memref_squeeze %dma_wait3A_162 : memref<1x128x128xf32, #tpu.memory_space<vmem>> -> memref<128x128xf32, #tpu.memory_space<vmem>>
      tpu.wait_dma2 semaphore(%run_scoped3A_139 : memref<!tpu.dma_semaphore, #tpu.memory_space<semaphore_mem>>) src(%dma_wait3A_163 : memref<128x128xf32, #tpu.memory_space<vmem>>) dst(%dma_wait3A_159 : memref<128x128xf32, #tpu.memory_space<hbm>>)
      tpu.yield
    }) : () -> ()
    return
  }
}

</mosaic_0001>

<sc_bundles>
// kernel: kernel.3.cloned.1.call-start
scs
__scs_entry_jumppad:
0x0: {  	(pc) =	sbr.rel $0x88, $3  }
0x1: {  	(tag) =	ssettag $0x0;
	lr =	simm.s32 $0x1  }
0x2: {  	[smem:$0x3F9F] =	sst lr;
	_ =	strace $0xD0000000  }
0x3: {  	_ = 	snop  }
0x4: {  	_ = 	snop  }
0x5: {  	_ = 	snop  }
0x6: {  	_ = 	snop  }
0x7: {  	_ = 	snop  }
__scs_overlays_trampoline_lowered:
0x8: {  	[smem:$0x3FAE] =	sst s0  }
0x9: {  	[smem:$0x3FAF] =	sst s1  }
0xa: {  	[smem:$0x3FB0] =	sst s2  }
0xb: {  	[smem:$0x3FB1] =	sst s3  }
0xc: {  	[smem:$0x3FB2] =	sst s4  }
0xd: {  	[smem:$0x3FB3] =	sst s5  }
0xe: {  	[smem:$0x3FB4] =	sst s6  }
0xf: {  	[smem:$0x3FB5] =	sst s7  }
0x10: {  	[smem:$0x3FB6] =	sst s8  }
0x11: {  	[smem:$0x3FB7] =	sst s9;
	s0 =	simm.s32 @!p0 $0x0  }
0x12: {  	s1 =	sld [smem:$0x3F9D];
	s0 =	simm.s32 @p0 $0x1  }
0x13: {  	[smem:$0x3FB8] =	sst s0;
	s0 =	simm.s32 @!p1 $0x0  }
0x14: {  	s2 =	sld [smem:$0x3F9C];
	s0 =	simm.s32 @p1 $0x1  }
0x15: {  	[smem:$0x3FB9] =	sst s0;
	s0 =	simm.s32 @!p2 $0x0  }
0x16: {  	s3 =	sld [smem:$0x3FDB];
	s0 =	simm.s32 @p2 $0x1  }
0x17: {  	s4 =	simm.s32 $0x1BF5;
	[smem:$0x3FBB] =	sst s0  }
0x18: {  	s0 =	sld [smem:$0x3F9E];
	_ =	swait.ge [sflag:s4], $0x0  }
0x19: {  	s7 =	sld [smem:$0x3F9F]  }
0x1a: {  	s8 =	sadd.s32 $0xFFFFE003, lr  }
0x1b: {  	s9 =	sadd.s32 $0xFFFFFEF7, lr;
	s5 =	simm.s32 $0xFFFFFFFF;
	p2 =	slt.u32 s8, $0xFFFFF086  }
0x1c: {  	p1 =	slt.u32 s9, $0xF7A;
	s5 =	simm.s32 @!p2 $0x0  }
0x1d: {  	s5 =	simm.s32 @p1 $0x1;
	p0 =	seq.s32 s7, s2  }
0x1e: {  	s7 =	smul.u32 @!p0 $0xF7A, s2;
	p2 =	seq.s32 @!p0 s5, $0x0  }
0x1f: {  	s9 =	smul.u32 $0xF7A, s1;
	s8 =	simm.s32 @!p0 $0x1BF5;
	p2 =	por !p2, p0  }
0x20: {  	[sflag:s8] =	ssyncset.s32 @!p0 $0xFFFFF086;
	s6 =	sadd.s32 @!p0 s3, s7;
	s7 =	simm.s32 @!p0 $0x108  }
0x21: {  	s3 =	sadd.s32 s3, s9;
	s6 =	sadd.s32 @!p0 $0x88, s6;
	s7 =	simm.s32 @p2 $0x1082  }
0x22: {  	[simem:s7], [sflag:s8] =	dma.local @!p0 [hbm:s6], $0xF7A  }
0x23: {  	s9 =	sor.u32 $0xD0000000, s2;
	s6 =	simm.s32 $0x108;
	_ =	swait.ge @!p0 [sflag:s8], $0x0  }
0x24: {  	s3 =	sadd.s32 $0x88, s3;
	s6 =	simm.s32 @!p1 $0x1082;
	[sflag:s4] =	ssyncset.s32 $0xFFFFF086  }
0x25: {  	[simem:s6], [sflag:s4] =	dma.local [hbm:s3], $0xF7A  }
0x26: {  	[smem:$0x3F9F] =	sst s1;
	(tag) =	ssettag s2;
	_ =	strace s9  }
0x27: {  	s1 =	sld [smem:$0x3FAF]  }
0x28: {  	s2 =	sld [smem:$0x3FB0]  }
0x29: {  	s4 =	sld [smem:$0x3FB2]  }
0x2a: {  	p0 =	seq.s32 s5, $0x0;
	s5 =	sld [smem:$0x3FB3]  }
0x2b: {  	s6 =	sld [smem:$0x3FB4]  }
0x2c: {  	s7 =	sld [smem:$0x3FB5]  }
0x2d: {  	s3 =	simm.s32 $0x108;
	s8 =	sld [smem:$0x3FB6]  }
0x2e: {  	s3 =	simm.s32 @!p0 $0x1082;
	s9 =	sld [smem:$0x3FB7]  }
0x2f: {  	lr =	sadd.s32 s0, s3;
	s0 =	sld [smem:$0x3FAE]  }
0x30: {  	s3 =	sld [smem:$0x3FB1]  }
0x31: {  	[smem:$0x3FBA] =	sst s10  }
0x32: {  	s10 =	sld [smem:$0x3FB8];
	_ =	sdelay $0x3  }
0x33: {  	p0 =	seq.s32 s10, $0x1;
	s10 =	sld [smem:$0x3FBA];
	_ =	sdelay $0x3  }
0x34: {  	[smem:$0x3FBA] =	sst s10  }
0x35: {  	s10 =	sld [smem:$0x3FB9];
	_ =	sdelay $0x3  }
0x36: {  	p1 =	seq.s32 s10, $0x1;
	s10 =	sld [smem:$0x3FBA];
	_ =	sdelay $0x3  }
0x37: {  	[smem:$0x3FBA] =	sst s10  }
0x38: {  	s10 =	sld [smem:$0x3FBB]  }
0x39: {  	_ = 	snop;
	(pc) =	sbr.ind lr, $3  }
0x3a: {  	_ = 	snop  }
0x3b: {  	_ = 	snop  }
0x3c: {  	p2 =	seq.s32 s10, $0x1;
	s10 =	sld [smem:$0x3FBA]  }
0x3d: {  	_ =	shalt  }
0x3e: {  	_ =	shalt  }
0x3f: {  	_ =	shalt  }
0x40: {  	_ =	shalt  }
0x41: {  	_ =	shalt  }
0x42: {  	_ =	shalt  }
0x43: {  	_ =	shalt  }
0x44: {  	_ =	shalt  }
0x45: {  	_ =	shalt  }
0x46: {  	_ =	shalt  }
0x47: {  	_ =	shalt  }
0x48: {  	_ =	shalt  }
0x49: {  	_ =	shalt  }
0x4a: {  	_ =	shalt  }
0x4b: {  	_ =	shalt  }
0x4c: {  	_ =	shalt  }
0x4d: {  	_ =	shalt  }
0x4e: {  	_ =	shalt  }
0x4f: {  	_ =	shalt  }
0x50: {  	_ =	shalt  }
0x51: {  	_ =	shalt  }
0x52: {  	_ =	shalt  }
0x53: {  	_ =	shalt  }
0x54: {  	_ =	shalt  }
0x55: {  	_ =	shalt  }
0x56: {  	_ =	shalt  }
0x57: {  	_ =	shalt  }
0x58: {  	_ =	shalt  }
0x59: {  	_ =	shalt  }
0x5a: {  	_ =	shalt  }
0x5b: {  	_ =	shalt  }
0x5c: {  	_ =	shalt  }
0x5d: {  	_ =	shalt  }
0x5e: {  	_ =	shalt  }
0x5f: {  	_ =	shalt  }
0x60: {  	_ =	shalt  }
0x61: {  	_ =	shalt  }
0x62: {  	_ =	shalt  }
0x63: {  	_ =	shalt  }
0x64: {  	_ =	shalt  }
0x65: {  	_ =	shalt  }
0x66: {  	_ =	shalt  }
0x67: {  	_ =	shalt  }
0x68: {  	_ =	shalt  }
0x69: {  	_ =	shalt  }
0x6a: {  	_ =	shalt  }
0x6b: {  	_ =	shalt  }
0x6c: {  	_ =	shalt  }
0x6d: {  	_ =	shalt  }
0x6e: {  	_ =	shalt  }
0x6f: {  	_ =	shalt  }
0x70: {  	_ =	shalt  }
0x71: {  	_ =	shalt  }
0x72: {  	_ =	shalt  }
0x73: {  	_ =	shalt  }
0x74: {  	_ =	shalt  }
0x75: {  	_ =	shalt  }
0x76: {  	_ =	shalt  }
0x77: {  	_ =	shalt  }
0x78: {  	_ =	shalt  }
0x79: {  	_ =	shalt  }
0x7a: {  	_ =	shalt  }
0x7b: {  	_ =	shalt  }
0x7c: {  	_ =	shalt  }
0x7d: {  	_ =	shalt  }
0x7e: {  	_ =	shalt  }
0x7f: {  	_ =	shalt  }
0x80: {  	_ =	shalt  }
0x81: {  	_ =	shalt  }
0x82: {  	_ =	shalt  }
0x83: {  	_ =	shalt  }
0x84: {  	_ =	shalt  }
0x85: {  	_ =	shalt  }
0x86: {  	_ =	shalt  }
0x87: {  	_ =	shalt  }
.Lfunc_end0:
.L_simem_size_0:
called_computation.1_lowered:
.L_overlay_start_0:
0x88: {  	s2 =	sld [smem:$0x3FD9]  }
0x89: {  	s3 =	sld [smem:$0x3FFE];
	_ =	sdelay $0x1  }
0x8a: {  	s1 =	srdreg.scid  }
0x8b: {  	s0 =	sand.u32 $0x1, s1  }
0x8c: {  	s17 =	sshll.u32 s0, $0xA;
	s2 =	sadd.s32 s3, s2  }
0x8d: {  	s2 =	sadd.s32 s2, s17  }
0x8e: {  	[smem:$0x3FC6] =	sst s2  }
0x8f: {  	_ = 	snop  }
0x90: {  	s2 =	sld [smem:$0x3FC8]  }
0x91: {  	s18 =	sld [smem:$0x3FD0];
	(tm) =	ssettm $0x1  }
0x92: {  	s4 =	sld [smem:$0x3FFB];
	_ =	sdelay $0x3  }
0x93: {  	_ =	strace s4  }
0x94: {  	s4 =	sld [smem:$0x3FFC];
	_ =	sdelay $0x3  }
0x95: {  	_ =	strace s4  }
0x96: {  	s4 =	sld [smem:$0x3FFD];
	_ =	sdelay $0x3  }
0x97: {  	_ =	strace s4  }
0x98: {  	_ =	strace $0x8FFFFFFF  }
0x99: {  	s19 =	sld [smem:$0x3FDB];
	_ =	sdelay $0x1  }
0x9a: {  	s5 =	simm.s32 $_scs_section_size  }
0x9b: {  	s6 =	simm.s32 $_size__tile_overlayer_lowered;
	s7 =	simm.s32 $_tile_overlayer_lowered  }
0x9c: {  	s22 =	simm.s32 $0x1BFF;
	s21 =	sshll.u32 s7, $0x1;
	s4 =	sadd.s32 s5, s19  }
0x9d: {  	s8 =	simm.s32 $0x0;
	s20 =	sshll.u32 s6, $0x1;
	s6 =	sadd.s32 s21, s4  }
0x9e: {  	[timem:s8], [sflag:s22] =	dma.local [hbm:s6], s20  }
0x9f: {  	_ =	swait.ge [sflag:s22], s20  }
0xa0: {  	s5 =	ssub.s32 $0x0, s20;
	[sflag:s22] =	ssyncset.done $0x0  }
0xa1: {  	[sflag:s22] =	ssyncadd.s32 s5;
	_ =	sdelay $0x1  }
0xa2: {  	s23 =	simm.s32 $0x1B8B  }
0xa3: {  	_ =	swait.ge [sflag:s23], $0x1  }
0xa4: {  	[sflag:s23] =	ssyncset.done $0x0  }
0xa5: {  	s25 =	simm.s32 $0x1B8E;
	s24 =	sld [smem:$0x3FFE];
	[sflag:s23] =	ssyncadd.s32 $0xFFFFFFFF  }
0xa6: {  	s26 =	simm.s32 $execute0_lowered;
	[smem:$0x3FD2] =	sst s25  }
0xa7: {  	s6 =	sshll.u32 s26, $0x1;
	_ =	strace $0x80000046;
	[dreg:$0x1] =	wrdreg $0xFFFFFFFF  }
0xa8: {  	s28 =	simm.s32 $_size_execute0_lowered;
	s4 =	sadd.s32 s4, s6;
	[dreg:$0x0] =	wrdreg $0x0  }
0xa9: {  	s6 =	sshll.u32 s28, $0x1;
	[dreg:$0x2] =	wrdreg s4  }
0xaa: {  	[dreg:$0x3] =	wrdreg s6  }
0xab: {  	[dreg:$0x4] =	wrdreg $0xC0  }
0xac: {  	_ =	task [dreg:s8], $0x5FFFF  }
0xad: {  	[dreg:$0x1] =	wrdreg $0xFFFFFFFF  }
0xae: {  	[dreg:$0x0] =	wrdreg $0x60  }
0xaf: {  	[dreg:$0x2] =	wrdreg s24  }
0xb0: {  	[dreg:$0x3] =	wrdreg s2  }
0xb1: {  	[dreg:$0x4] =	wrdreg s18  }
0xb2: {  	[dreg:$0x5] =	wrdreg $0x9  }
0xb3: {  	_ =	task.clear_ibuf [dreg:s8], $0x6FFFF;
	_ =	strace $0x90000046  }
0xb4: {  	s29 =	simm.s32 $0x9;
	_ =	strace $0x80000048  }
0xb5: {  	_ =	swait.ge [sflag:s29], $0x1  }
0xb6: {  	[sflag:s29] =	ssyncadd.s32 $0xFFFFFFFF  }
0xb7: {  	_ =	strace $0x90000048  }
0xb8: {  	_ =	sfence  }
0xb9: {  	s30 =	sld [smem:$0x0];
	_ =	sdelay $0x2  }
0xba: {  	s31 =	sshll.u32 s1, $0xD;
	s1 =	sshrl.u32 s1, $0x2  }
0xbb: {  	s3 =	sand.u32 $0x4000, s31;
	s1 =	sadd.s32 s1, s30  }
0xbc: {  	s0 =	sor.u32 s3, s0;
	s1 =	sshll.u32 s1, $0x11  }
0xbd: {  	s0 =	sor.u32 s1, s0  }
0xbe: {  	s0 =	sadd.s32 $0x8F2B, s0  }
0xbf: {  	[sflag:s0] =	ssyncadd.remote.s32 $0x1  }
0xc0: {  	_ =	sfence.sel $0xFFFF  }
0xc1: {  	[dreg:$0x0] =	wrdreg $0xFFFFFFFF;
	(pc) =	sbr.abs _section_cstart, $3  }
0xc2: {  	[dreg:$0x1] =	wrdreg $0xFFFFFFFF  }
0xc3: {  	_ =	task.clear_ibuf [dreg:s8], $0x2FFFF;
	_ =	strace $0x9FFFFFFF  }
0xc4: {  	(tm) =	ssettm $0x7FFFFFFF  }
0xc5: {  	_ =	shalt  }
tec
execute0_lowered:
.L_overlay_start_1:
0x0: {  	(tag) =	ssettag $0x1  }
0x1: {  	s4 =	rddreg [dreg:$0x0]  }
0x2: {  	s1 =	srdreg.scid;
	s2 =	rddreg [dreg:$0x1]  }
0x3: {  	s0 =	stileid.u32;
	s8 =	rddreg [dreg:$0x2]  }
0x4: {  	s3 =	simm.s32 $0x0;
	s13 =	simm.s32 $0x80;
	s14 =	simm.s32 $0x1C00  }
0x5: {  	s15 =	simm.s32 $0x5C00;
	s16 =	simm.s32 $0x100;
	s17 =	simm.s32 $0x9C00  }
0x6: {  	s18 =	simm.s32 $0x180;
	s19 =	simm.s32 $0xDC00;
	s20 =	simm.s32 $0x200  }
0x7: {  	s21 =	simm.s32 $0x11C00;
	s22 =	simm.s32 $0x1;
	s23 =	simm.s32 $0x2  }
0x8: {  	s24 =	simm.s32 $0x3;
	s25 =	simm.s32 $0x4;
	s26 =	simm.s32 $0x5  }
0x9: {  	s6 =	sand.u32 $0x1, s1;
	s29 =	sshll.u32 s0, $0x1;
	s11 =	smul.u32 $0x32000, s0  }
0xa: {  	s28 =	simm.s32 $0x0;
	s5 =	sor.u32 s6, s29;
	s12 =	smul.u32 $0x19000, s6  }
0xb: {  	[smem:$0x7FF] =	sst s3;
	s9 =	ssub.s32 $0x2, s6;
	s7 =	smul.u32 $0x380, s5  }
0xc: {  	s5 =	smul.u32 $0xC8000, s5;
	s30 =	sshrl.u32 s9, $0x1;
	s11 =	sadd.s32 s11, s8  }
0xd: {  	_ =	strace $0x80000047;
	s10 =	ssub.s32 s9, s30;
	s11 =	sadd.s32 s12, s11  }
0xe: {  	s12 =	simm.s32 $0x6;
	s4 =	sadd.s32 s7, s4;
	s5 =	sshrl.u32 s5, $0x3  }
0xf: {  	s10 =	smax.u32 s10, $0x1;
	s11 =	sadd.s32 $0x2000, s11;
	s31 =	sadd.s32 s8, s5  }
0x10: {  	s4 =	sadd.s32 $0x800, s4;
	s5 =	sadd.s32 $0x16800, s31;
	s6 =	sadd.s32 $0x17000, s31  }
0x11: {  	s7 =	sadd.s32 $0x17800, s31;
	s8 =	sadd.s32 $0x18000, s31;
	s9 =	sadd.s32 $0x18800, s31  }
.LBB2_1:
0x12: {  	[tilespmem:s3], [sflag:$0x6] =	stream.linear.gather [hbm4b:s4+s3], $0x1900, $0x38;
	[tilespmem:$0x15C00] =	vst v63  }
0x13: {  	_ =	swait.ge [sflag:s12], $0x1900  }
0x14: {  	[sflag:s12] =	ssyncset.done $0x0  }
0x15: {  	[sflag:s12] =	ssyncadd.s32 $0xFFFFE700  }
0x16: {  	[tilespmem:s14], [sflag:$0x1] =	stream.indirect.gather [hbm4b:s2+s13], $0x80, s3, s13, $0xb8;
	[tilespmem:$0x15C00] =	vst v63  }
0x17: {  	_ = 	snop  }
0x18: {  	[tilespmem:s15], [sflag:$0x2] =	stream.indirect.gather [hbm4b:s2+s13], $0x80, s13, s13, $0xb8;
	[tilespmem:$0x15C00] =	vst v63  }
0x19: {  	_ = 	snop  }
0x1a: {  	[tilespmem:s17], [sflag:$0x3] =	stream.indirect.gather [hbm4b:s2+s13], $0x80, s16, s13, $0xb8;
	[tilespmem:$0x15C00] =	vst v63  }
0x1b: {  	_ = 	snop  }
0x1c: {  	[tilespmem:s19], [sflag:$0x4] =	stream.indirect.gather [hbm4b:s2+s13], $0x80, s18, s13, $0xb8;
	[tilespmem:$0x15C00] =	vst v63  }
0x1d: {  	_ = 	snop  }
0x1e: {  	[tilespmem:s21], [sflag:$0x5] =	stream.indirect.gather [hbm4b:s2+s13], $0x80, s20, s13, $0xb8;
	[tilespmem:$0x15C00] =	vst v63  }
0x1f: {  	_ =	swait.ge [sflag:s22], $0x4000  }
0x20: {  	[sflag:s22] =	ssyncset.done $0x0  }
0x21: {  	s29 =	sadd.s32 $0xFFFFE000, s11;
	[sflag:s22] =	ssyncadd.s32 $0xFFFFC000  }
0x22: {  	[hbm4b:s29+s3] =	stream.linear.scatter [tilespmem:s14], [sflag:$0x6], $0x4000, $0x38;
	[tilespmem:$0x15C00] =	vst v63  }
0x23: {  	_ =	swait.ge [sflag:s12], $0x4000  }
0x24: {  	[sflag:s12] =	ssyncset.done $0x0  }
0x25: {  	s29 =	simm.s32 $0x280;
	[sflag:s12] =	ssyncadd.s32 $0xFFFFC000  }
0x26: {  	[tilespmem:s14], [sflag:$0x1] =	stream.indirect.gather [hbm4b:s2+s13], $0x80, s29, s13, $0xb8;
	[tilespmem:$0x15C00] =	vst v63  }
0x27: {  	_ =	swait.ge [sflag:s23], $0x4000  }
0x28: {  	[sflag:s23] =	ssyncset.done $0x0  }
0x29: {  	s29 =	sadd.s32 $0xFFFFE800, s11;
	[sflag:s23] =	ssyncadd.s32 $0xFFFFC000  }
0x2a: {  	[hbm4b:s29+s3] =	stream.linear.scatter [tilespmem:s15], [sflag:$0x6], $0x4000, $0x38;
	[tilespmem:$0x15C00] =	vst v63  }
0x2b: {  	_ =	swait.ge [sflag:s12], $0x4000  }
0x2c: {  	[sflag:s12] =	ssyncset.done $0x0  }
0x2d: {  	s29 =	simm.s32 $0x300;
	[sflag:s12] =	ssyncadd.s32 $0xFFFFC000  }
0x2e: {  	[tilespmem:s15], [sflag:$0x2] =	stream.indirect.gather [hbm4b:s2+s13], $0x80, s29, s13, $0xb8;
	[tilespmem:$0x15C00] =	vst v63  }
0x2f: {  	_ =	swait.ge [sflag:s24], $0x4000  }
0x30: {  	[sflag:s24] =	ssyncset.done $0x0  }
0x31: {  	s29 =	sadd.s32 $0xFFFFF000, s11;
	[sflag:s24] =	ssyncadd.s32 $0xFFFFC000  }
0x32: {  	[hbm4b:s29+s3] =	stream.linear.scatter [tilespmem:s17], [sflag:$0x6], $0x4000, $0x38;
	[tilespmem:$0x15C00] =	vst v63  }
0x33: {  	_ =	swait.ge [sflag:s12], $0x4000  }
0x34: {  	[sflag:s12] =	ssyncset.done $0x0  }
0x35: {  	s29 =	simm.s32 $0x380;
	[sflag:s12] =	ssyncadd.s32 $0xFFFFC000  }
0x36: {  	[tilespmem:s17], [sflag:$0x3] =	stream.indirect.gather [hbm4b:s2+s13], $0x80, s29, s13, $0xb8;
	[tilespmem:$0x15C00] =	vst v63  }
0x37: {  	_ =	swait.ge [sflag:s25], $0x4000  }
0x38: {  	[sflag:s25] =	ssyncset.done $0x0  }
0x39: {  	s29 =	sadd.s32 $0xFFFFF800, s11;
	[sflag:s25] =	ssyncadd.s32 $0xFFFFC000  }
0x3a: {  	[hbm4b:s29+s3] =	stream.linear.scatter [tilespmem:s19], [sflag:$0x6], $0x4000, $0x38;
	[tilespmem:$0x15C00] =	vst v63  }
0x3b: {  	_ =	swait.ge [sflag:s12], $0x4000  }
0x3c: {  	[sflag:s12] =	ssyncset.done $0x0  }
0x3d: {  	s29 =	simm.s32 $0x400;
	[sflag:s12] =	ssyncadd.s32 $0xFFFFC000  }
0x3e: {  	[tilespmem:s19], [sflag:$0x4] =	stream.indirect.gather [hbm4b:s2+s13], $0x80, s29, s13, $0xb8;
	[tilespmem:$0x15C00] =	vst v63  }
0x3f: {  	_ =	swait.ge [sflag:s26], $0x4000  }
0x40: {  	[sflag:s26] =	ssyncset.done $0x0  }
0x41: {  	[sflag:s26] =	ssyncadd.s32 $0xFFFFC000  }
0x42: {  	[hbm4b:s11+s3] =	stream.linear.scatter [tilespmem:s21], [sflag:$0x6], $0x4000, $0x38;
	[tilespmem:$0x15C00] =	vst v63  }
0x43: {  	_ =	swait.ge [sflag:s12], $0x4000  }
0x44: {  	s31 =	simm.s32 $0x480;
	[sflag:s12] =	ssyncset.done $0x0  }
0x45: {  	s30 =	sadd.s32 $0x2800, s11;
	s29 =	simm.s32 $0xA00;
	[sflag:s12] =	ssyncadd.s32 $0xFFFFC000  }
.LBB2_2:
0x46: {  	[tilespmem:s21], [sflag:$0x5] =	stream.indirect.gather [hbm4b:s2+s13], $0x80, s31, s13, $0xb8;
	[tilespmem:$0x15C00] =	vst v63  }
0x47: {  	s31 =	smov.u32 s29  }
0x48: {  	p0 =	sne.s32 s29, $0x5000;
	s29 =	sadd.s32 $0xA00, s29;
	_ =	swait.ge [sflag:s22], $0x4000  }
0x49: {  	[sflag:s22] =	ssyncset.done $0x0  }
0x4a: {  	s1 =	sadd.s32 $0xFFFFE000, s30;
	[sflag:s22] =	ssyncadd.s32 $0xFFFFC000  }
0x4b: {  	[hbm4b:s1+s3] =	stream.linear.scatter [tilespmem:s14], [sflag:$0x6], $0x4000, $0x38;
	[tilespmem:$0x15C00] =	vst v63  }
0x4c: {  	_ =	swait.ge [sflag:s12], $0x4000  }
0x4d: {  	s31 =	sshra.s32 s31, $0x2;
	[sflag:s12] =	ssyncset.done $0x0  }
0x4e: {  	s1 =	sadd.s32 $0x280, s31;
	[sflag:s12] =	ssyncadd.s32 $0xFFFFC000  }
0x4f: {  	[tilespmem:s14], [sflag:$0x1] =	stream.indirect.gather [hbm4b:s2+s13], $0x80, s1, s13, $0xb8;
	[tilespmem:$0x15C00] =	vst v63  }
0x50: {  	_ =	swait.ge [sflag:s23], $0x4000  }
0x51: {  	[sflag:s23] =	ssyncset.done $0x0  }
0x52: {  	s1 =	sadd.s32 $0xFFFFE800, s30;
	[sflag:s23] =	ssyncadd.s32 $0xFFFFC000  }
0x53: {  	[hbm4b:s1+s3] =	stream.linear.scatter [tilespmem:s15], [sflag:$0x6], $0x4000, $0x38;
	[tilespmem:$0x15C00] =	vst v63  }
0x54: {  	_ =	swait.ge [sflag:s12], $0x4000  }
0x55: {  	[sflag:s12] =	ssyncset.done $0x0  }
0x56: {  	s1 =	sadd.s32 $0x300, s31;
	[sflag:s12] =	ssyncadd.s32 $0xFFFFC000  }
0x57: {  	[tilespmem:s15], [sflag:$0x2] =	stream.indirect.gather [hbm4b:s2+s13], $0x80, s1, s13, $0xb8;
	[tilespmem:$0x15C00] =	vst v63  }
0x58: {  	_ =	swait.ge [sflag:s24], $0x4000  }
0x59: {  	[sflag:s24] =	ssyncset.done $0x0  }
0x5a: {  	s1 =	sadd.s32 $0xFFFFF000, s30;
	[sflag:s24] =	ssyncadd.s32 $0xFFFFC000  }
0x5b: {  	[hbm4b:s1+s3] =	stream.linear.scatter [tilespmem:s17], [sflag:$0x6], $0x4000, $0x38;
	[tilespmem:$0x15C00] =	vst v63  }
0x5c: {  	_ =	swait.ge [sflag:s12], $0x4000  }
0x5d: {  	[sflag:s12] =	ssyncset.done $0x0  }
0x5e: {  	s1 =	sadd.s32 $0x380, s31;
	[sflag:s12] =	ssyncadd.s32 $0xFFFFC000  }
0x5f: {  	[tilespmem:s17], [sflag:$0x3] =	stream.indirect.gather [hbm4b:s2+s13], $0x80, s1, s13, $0xb8;
	[tilespmem:$0x15C00] =	vst v63  }
0x60: {  	_ =	swait.ge [sflag:s25], $0x4000  }
0x61: {  	[sflag:s25] =	ssyncset.done $0x0  }
0x62: {  	s1 =	sadd.s32 $0xFFFFF800, s30;
	[sflag:s25] =	ssyncadd.s32 $0xFFFFC000  }
0x63: {  	[hbm4b:s1+s3] =	stream.linear.scatter [tilespmem:s19], [sflag:$0x6], $0x4000, $0x38;
	[tilespmem:$0x15C00] =	vst v63  }
0x64: {  	_ =	swait.ge [sflag:s12], $0x4000  }
0x65: {  	[sflag:s12] =	ssyncset.done $0x0  }
0x66: {  	s1 =	sadd.s32 $0x400, s31;
	[sflag:s12] =	ssyncadd.s32 $0xFFFFC000  }
0x67: {  	[tilespmem:s19], [sflag:$0x4] =	stream.indirect.gather [hbm4b:s2+s13], $0x80, s1, s13, $0xb8;
	[tilespmem:$0x15C00] =	vst v63  }
0x68: {  	_ =	swait.ge [sflag:s26], $0x4000  }
0x69: {  	[sflag:s26] =	ssyncset.done $0x0  }
.Ltmp0:
0x6a: {  	[sflag:s26] =	ssyncadd.s32 $0xFFFFC000;
	(pc) =	sbr.rel @p0 .LBB2_2-.Ltmp0, $4  }
0x6b: {  	[hbm4b:s30+s3] =	stream.linear.scatter [tilespmem:s21], [sflag:$0x6], $0x4000, $0x38;
	[tilespmem:$0x15C00] =	vst v63  }
0x6c: {  	_ =	swait.ge [sflag:s12], $0x4000  }
0x6d: {  	[sflag:s12] =	ssyncset.done $0x0  }
0x6e: {  	s31 =	sadd.s32 $0x480, s31;
	s30 =	sadd.s32 $0x2800, s30;
	[sflag:s12] =	ssyncadd.s32 $0xFFFFC000  }
0x6f: {  	[tilespmem:s21], [sflag:$0x5] =	stream.indirect.gather [hbm4b:s2+s13], $0x80, s31, s13, $0xb8;
	[tilespmem:$0x15C00] =	vst v63  }
0x70: {  	_ =	swait.ge [sflag:s22], $0x4000  }
0x71: {  	[sflag:s22] =	ssyncset.done $0x0  }
0x72: {  	[sflag:s22] =	ssyncadd.s32 $0xFFFFC000  }
0x73: {  	[hbm4b:s5+s3] =	stream.linear.scatter [tilespmem:s14], [sflag:$0x6], $0x4000, $0x38;
	[tilespmem:$0x15C00] =	vst v63  }
0x74: {  	_ =	swait.ge [sflag:s12], $0x4000  }
0x75: {  	[sflag:s12] =	ssyncset.done $0x0  }
0x76: {  	[sflag:s12] =	ssyncadd.s32 $0xFFFFC000  }
0x77: {  	_ =	swait.ge [sflag:s23], $0x4000  }
0x78: {  	[sflag:s23] =	ssyncset.done $0x0  }
0x79: {  	[sflag:s23] =	ssyncadd.s32 $0xFFFFC000  }
0x7a: {  	[hbm4b:s6+s3] =	stream.linear.scatter [tilespmem:s15], [sflag:$0x6], $0x4000, $0x38;
	[tilespmem:$0x15C00] =	vst v63  }
0x7b: {  	_ =	swait.ge [sflag:s12], $0x4000  }
0x7c: {  	[sflag:s12] =	ssyncset.done $0x0  }
0x7d: {  	[sflag:s12] =	ssyncadd.s32 $0xFFFFC000  }
0x7e: {  	_ =	swait.ge [sflag:s24], $0x4000  }
0x7f: {  	[sflag:s24] =	ssyncset.done $0x0  }
0x80: {  	[sflag:s24] =	ssyncadd.s32 $0xFFFFC000  }
0x81: {  	[hbm4b:s7+s3] =	stream.linear.scatter [tilespmem:s17], [sflag:$0x6], $0x4000, $0x38;
	[tilespmem:$0x15C00] =	vst v63  }
0x82: {  	_ =	swait.ge [sflag:s12], $0x4000  }
0x83: {  	[sflag:s12] =	ssyncset.done $0x0  }
0x84: {  	[sflag:s12] =	ssyncadd.s32 $0xFFFFC000  }
0x85: {  	_ =	swait.ge [sflag:s25], $0x4000  }
0x86: {  	[sflag:s25] =	ssyncset.done $0x0  }
0x87: {  	[sflag:s25] =	ssyncadd.s32 $0xFFFFC000  }
0x88: {  	[hbm4b:s8+s3] =	stream.linear.scatter [tilespmem:s19], [sflag:$0x6], $0x4000, $0x38;
	[tilespmem:$0x15C00] =	vst v63  }
0x89: {  	_ =	swait.ge [sflag:s12], $0x4000  }
0x8a: {  	[sflag:s12] =	ssyncset.done $0x0  }
0x8b: {  	[sflag:s12] =	ssyncadd.s32 $0xFFFFC000  }
0x8c: {  	s28 =	sadd.s32 $0x1, s28;
	_ =	swait.ge [sflag:s26], $0x4000  }
0x8d: {  	p0 =	sne.s32 s28, s10;
	[sflag:s26] =	ssyncset.done $0x0  }
.Ltmp1:
0x8e: {  	[sflag:s26] =	ssyncadd.s32 $0xFFFFC000;
	(pc) =	sbr.rel @p0 .LBB2_1-.Ltmp1, $4  }
0x8f: {  	[hbm4b:s9+s3] =	stream.linear.scatter [tilespmem:s21], [sflag:$0x6], $0x4000, $0x38;
	[tilespmem:$0x15C00] =	vst v63  }
0x90: {  	_ =	swait.ge [sflag:s12], $0x4000  }
0x91: {  	[sflag:s12] =	ssyncset.done $0x0  }
0x92: {  	[sflag:s12] =	ssyncadd.s32 $0xFFFFC000  }
0x93: {  	_ =	sfence.sel $0x180000  }
0x94: {  	[bflag:$0x0] =	sbarrier.arrive $0xFFFF  }
0x95: {  	_ =	strace $0x90000047  }
0x96: {  	[bflag:$0x2] =	sbarrier.arrive $0xFFFF  }
0x97: {  	p0 =	sne.s32 s0, $0x0;
	s0 =	rddreg [dreg:$0x3]  }
0x98: {  	s0 =	sadd.s32 @!p0 $0x100000, s0  }
0x99: {  	[sflag:s0] =	ssyncadd.tile.s32 @!p0 $0x1;
	_ =	shalt  }
.Lfunc_end2:
_tile_overlayer_lowered:
.L_overlay_start_2:
0x9a: {  	(tag) =	ssettag $0x2  }
0x9b: {  	s0 =	rddreg [dreg:$0x0];
	s2 =	stileid.u32  }
0x9c: {  	s1 =	rddreg [dreg:$0x1];
	p0 =	sne.s32 s2, $0x0  }
0x9d: {  	s3 =	rddreg [dreg:$0x2];
	[bflag:$0x3] =	sbarrier.arrive $0xFFFF;
	s2 =	simm.s32 @!p0 $0x1C06  }
0x9e: {  	[timem:s3], [sflag:s2] =	dma.local @!p0 [hbm:s0], s1  }
0x9f: {  	s0 =	simm.s32 @!p0 $0x6  }
0xa0: {  	_ =	swait.ge @!p0 [sflag:s0], s1  }
0xa1: {  	s1 =	ssub.s32 @!p0 $0x0, s1;
	[sflag:s0] =	ssyncset.done @!p0 $0x0  }
0xa2: {  	[sflag:s0] =	ssyncadd.s32 @!p0 s1  }
0xa3: {  	[bflag:$0x3] =	sbarrier.arrive $0xFFFF  }
0xa4: {  	_ =	shalt  }

// kernel: sparse-core-data-format-call.cloned.1.call-start
scs
called_computation_lowered:
.L_overlay_start_0:
0x0: {  	s2 =	sld [smem:$0x3FD9]  }
0x1: {  	s3 =	sld [smem:$0x3FFE];
	_ =	sdelay $0x1  }
0x2: {  	s1 =	srdreg.scid  }
0x3: {  	s0 =	sand.u32 $0x1, s1  }
0x4: {  	s18 =	sshll.u32 s0, $0xA;
	s2 =	sadd.s32 s3, s2  }
0x5: {  	s2 =	sadd.s32 s2, s18  }
0x6: {  	[smem:$0x3FC6] =	sst s2  }
0x7: {  	_ = 	snop  }
0x8: {  	s2 =	sld [smem:$0x3FD0];
	(tm) =	ssettm $0x1  }
0x9: {  	s19 =	sld [smem:$0x3FFB];
	_ =	sdelay $0x3  }
0xa: {  	_ =	strace s19  }
0xb: {  	s3 =	sld [smem:$0x3FFC];
	_ =	sdelay $0x3  }
0xc: {  	_ =	strace s3  }
0xd: {  	s3 =	sld [smem:$0x3FFD];
	_ =	sdelay $0x3  }
0xe: {  	_ =	strace s3  }
0xf: {  	_ =	strace $0x8FFFFFFF  }
0x10: {  	s20 =	sld [smem:$0x3FDB];
	_ =	sdelay $0x1  }
0x11: {  	s4 =	simm.s32 $_scs_section_size  }
0x12: {  	s5 =	simm.s32 $_size__tile_overlayer_lowered;
	s6 =	simm.s32 $_tile_overlayer_lowered  }
0x13: {  	s23 =	simm.s32 $0x1BFF;
	s22 =	sshll.u32 s6, $0x1;
	s3 =	sadd.s32 s4, s20  }
0x14: {  	s7 =	simm.s32 $0x0;
	s21 =	sshll.u32 s5, $0x1;
	s5 =	sadd.s32 s22, s3  }
0x15: {  	[timem:s7], [sflag:s23] =	dma.local [hbm:s5], s21  }
0x16: {  	_ =	swait.ge [sflag:s23], s21  }
0x17: {  	s4 =	ssub.s32 $0x0, s21;
	[sflag:s23] =	ssyncset.done $0x0  }
0x18: {  	[sflag:s23] =	ssyncadd.s32 s4;
	_ =	sdelay $0x1  }
0x19: {  	s24 =	simm.s32 $0x1B8B  }
0x1a: {  	_ =	swait.ge [sflag:s24], $0x1  }
0x1b: {  	[sflag:s24] =	ssyncset.done $0x0  }
0x1c: {  	s26 =	simm.s32 $0x1B8E;
	s25 =	sld [smem:$0x3FFE];
	[sflag:s24] =	ssyncadd.s32 $0xFFFFFFFF  }
0x1d: {  	s27 =	simm.s32 $execute0_lowered;
	[smem:$0x3FD2] =	sst s26  }
0x1e: {  	s5 =	sshll.u32 s27, $0x1;
	_ =	strace $0x80000049;
	[dreg:$0x1] =	wrdreg $0xFFFFFFFF  }
0x1f: {  	s28 =	simm.s32 $_size_execute0_lowered;
	s3 =	sadd.s32 s3, s5;
	[dreg:$0x0] =	wrdreg $0x0  }
0x20: {  	s5 =	sshll.u32 s28, $0x1;
	[dreg:$0x2] =	wrdreg s3  }
0x21: {  	[dreg:$0x3] =	wrdreg s5  }
0x22: {  	[dreg:$0x4] =	wrdreg $0xC0  }
0x23: {  	_ =	task [dreg:s7], $0x5FFFF  }
0x24: {  	[dreg:$0x1] =	wrdreg $0xFFFFFFFF  }
0x25: {  	[dreg:$0x0] =	wrdreg $0x60  }
0x26: {  	[dreg:$0x2] =	wrdreg s25  }
0x27: {  	[dreg:$0x3] =	wrdreg s2  }
0x28: {  	[dreg:$0x4] =	wrdreg $0x9  }
0x29: {  	_ =	task.clear_ibuf [dreg:s7], $0x5FFFF;
	_ =	strace $0x90000049  }
0x2a: {  	s29 =	simm.s32 $0x9;
	_ =	strace $0x8000004B  }
0x2b: {  	_ =	swait.ge [sflag:s29], $0x1  }
0x2c: {  	[sflag:s29] =	ssyncadd.s32 $0xFFFFFFFF  }
0x2d: {  	_ =	strace $0x9000004B  }
0x2e: {  	_ =	sfence  }
0x2f: {  	s30 =	sld [smem:$0x0];
	_ =	sdelay $0x2  }
0x30: {  	s31 =	sshll.u32 s1, $0xD;
	s1 =	sshrl.u32 s1, $0x2  }
0x31: {  	s3 =	sand.u32 $0x4000, s31;
	s1 =	sadd.s32 s1, s30  }
0x32: {  	s0 =	sor.u32 s3, s0;
	s1 =	sshll.u32 s1, $0x11  }
0x33: {  	s0 =	sor.u32 s1, s0  }
0x34: {  	s0 =	sadd.s32 $0x8F2B, s0  }
0x35: {  	[sflag:s0] =	ssyncadd.remote.s32 $0x1  }
0x36: {  	_ =	sfence.sel $0xFFFF  }
0x37: {  	[dreg:$0x0] =	wrdreg $0xFFFFFFFF;
	(pc) =	sbr.abs _section_cstart, $3  }
0x38: {  	[dreg:$0x1] =	wrdreg $0xFFFFFFFF  }
0x39: {  	_ =	task.clear_ibuf [dreg:s7], $0x2FFFF;
	_ =	strace $0x9FFFFFFF  }
0x3a: {  	(tm) =	ssettm $0x7FFFFFFF  }
0x3b: {  	_ =	shalt  }
tec
execute0_lowered:
.L_overlay_start_1:
0x0: {  	(tag) =	ssettag $0x1  }
0x1: {  	s0 =	srdreg.scid  }
0x2: {  	s1 =	sshll.u32 s0, $0x4  }
0x3: {  	s0 =	stileid.u32;
	s1 =	sand.u32 $0x10, s1  }
0x4: {  	s1 =	sor.u32 s0, s1  }
0x5: {  	s6 =	rddreg [dreg:$0x0];
	s4 =	simm.s32 $0x1;
	s2 =	sshll.u32 s1, $0x6  }
0x6: {  	s7 =	simm.s32 $0x2;
	s13 =	simm.s32 $0x0;
	s1 =	ssub.s32 $0x1000, s2  }
0x7: {  	s8 =	simm.s32 $0x2000;
	s9 =	simm.s32 $0x80000;
	s3 =	sand.u32 $0x7C0, s1  }
0x8: {  	s14 =	simm.s32 $0x0;
	s5 =	sshrl.u32 s1, $0xB;
	p0 =	sne.s32 s3, $0x0  }
.Ltmp0:
0x9: {  	s1 =	rddreg [dreg:$0x2];
	s4 =	simm.s32 @!p0 $0x0;
	(pc) =	sbr.rel .LBB1_1-.Ltmp0, $4  }
0xa: {  	s10 =	simm.s32 $0x0;
	s3 =	rddreg [dreg:$0x1];
	s5 =	sadd.s32 s4, s5  }
0xb: {  	_ =	strace $0x8000004A;
	s4 =	simm.s32 $0x1;
	s5 =	smul.u32 $0x19, s5  }
0xc: {  	s12 =	simm.s32 $0x0;
	s6 =	sadd.s32 $0x800, s6;
	[sflag:s4] =	ssyncpa.u1 $0x0  }
0xd: {  	s11 =	smov.u32 s2;
	[sflag:s7] =	ssyncpa.u1 $0x0;
	s7 =	sadd.s32 $0x1, s5  }
.LBB1_7:
0xe: {  	s15 =	sadd.s32 $0x2, s10  }
0xf: {  	s13 =	sadd.s32 $0x800, s11;
	s17 =	smov.u32 s11;
	p1 =	sgt.s32 s15, $0x31  }
0x10: {  	s17 =	smov.u32 @p1 s13  }
0x11: {  	s15 =	simm.s32 @p1 $0x0;
	p1 =	sgt.s32 s17, $0xFFF  }
0x12: {  	s17 =	smov.u32 @p1 s2;
	p1 =	sne.s32 s12, s7  }
.Ltmp1:
0x13: {  	p0 =	slt.u32 s12, $0x2;
	(pc) =	sbr.rel @!p1 .LBB1_8-.Ltmp1, $4  }
0x14: {  	s16 =	simm.s32 @!p0 $0x2  }
0x15: {  	s14 =	smov.u32 s11;
	_ =	swait.ge @!p0 [sflag:s16], $0x4000  }
0x16: {  	s13 =	smov.u32 s10;
	[sflag:s16] =	ssyncset.done @!p0 $0x0;
	s10 =	smov.u32 s15  }
0x17: {  	s12 =	sadd.s32 $0x1, s12;
	[sflag:s16] =	ssyncadd.s32 @!p0 $0xFFFFC000;
	s11 =	smov.u32 s17  }
.LBB1_1:
0x18: {  	p0 =	sge.u32 s12, s5  }
0x19: {  	s15 =	sand.u32 @!p0 $0x1FFFFFF, s10  }
0x1a: {  	s16 =	smulhi.u32 @!p0 $0x4924925, s15;
	_ =	sdelay $0x1  }
0x1b: {  	s16 =	smul.u32 @!p0 $0x38, s16  }
0x1c: {  	s17 =	sxor.u32 @!p0 $0xFFFFFFFF, s12;
	s18 =	smul.u32 @!p0 $0x380, s11  }
0x1d: {  	s31 =	sadd.s32 $0xFFFFFFFF, s12;
	s17 =	sshll.u32 @!p0 s17, $0xE;
	s15 =	ssub.s32 @!p0 s15, s16  }
0x1e: {  	s16 =	sand.u32 @!p0 $0x4000, s17;
	s17 =	sadd.s32 @!p0 s6, s18;
	s15 =	sshll.u32 @!p0 s15, $0x4  }
0x1f: {  	s18 =	simm.s32 @!p0 $0x1C00;
	s15 =	sadd.s32 @!p0 s15, s17;
	s17 =	simm.s32 @!p0 $0x100  }
0x20: {  	[tilespmem:s16], [sflag:$0x1] =	stream.strided.gather @!p0 [hbm4b:s15+s17], $0x4000, s18, s17, $0x38;
	[tilespmem:$0x10000] =	vst v63  }
0x21: {  	p0 =	sge.u32 s31, s5  }
.Ltmp2:
0x22: {  	_ = 	snop;
	(pc) =	sbr.rel @p0 .LBB1_7-.Ltmp2, $1  }
0x23: {  	_ =	sdelay $0x3  }
0x24: {  	_ =	swait.ge [sflag:s4], $0x4000;
	s15 =	sshll.u32 s12, $0xE  }
0x25: {  	[sflag:s4] =	ssyncset.done $0x0;
	s16 =	sand.u32 $0x4000, s15  }
0x26: {  	s17 =	simm.s32 $0x0;
	[sflag:s4] =	ssyncadd.s32 $0xFFFFC000;
	s15 =	sor.u32 $0x8000, s16  }
.LBB1_3:
0x27: {  	s18 =	sshll.u32 s17, $0x8  }
0x28: {  	s18 =	sand.u32 $0x3FFFFF00, s18  }
0x29: {  	s19 =	sshll.u32 s17, $0x7;
	s18 =	sadd.s32 s18, s16  }
0x2a: {  	s19 =	sand.u32 $0x3FFFFF80, s19;
	v0 =	vmov s18  }
0x2b: {  	s19 =	sadd.s32 s19, s15  }
0x2c: {  	p0 =	por $0x1, $0x1;
	v1 =	vmov s19;
	s18 =	simm.s32 $0x0  }
.LBB1_4:
0x2d: {  	s19 =	sshll.u32 s18, $0x7  }
0x2e: {  	s19 =	sand.u32 $0x3FFFFF80, s19  }
0x2f: {  	v2 =	vld.idx.msk [tilespmem:v0+s19+$0x0 ss:$0x1], $0xffff  }
0x30: {  	v3 =	vld.idx.msk [tilespmem:v0+s19+$0x10 ss:$0x1], $0xffff  }
0x31: {  	v4 =	vld.idx.msk [tilespmem:v0+s19+$0x20 ss:$0x1], $0xffff  }
0x32: {  	s31 =	sshll.u32 s18, $0xD;
	v5 =	vld.idx.msk [tilespmem:v0+s19+$0x30 ss:$0x1], $0xffff  }
0x33: {  	s18 =	sand.u32 $0x3FFFE000, s31;
	v6 =	vld.idx.msk [tilespmem:v0+s19+$0x40 ss:$0x1], $0xffff  }
0x34: {  	v63 =	vld.idx.msk [tilespmem:v0+s19+$0x70 ss:$0x1], $0xffff;
	[tilespmem:v1+s18+$0x0 ss:$0x1] =	vst.idx.msk $0xffff, v2  }
0x35: {  	v2 =	vld.idx.msk [tilespmem:v0+s19+$0x50 ss:$0x1], $0xffff;
	[tilespmem:v1+s18+$0x10 ss:$0x1] =	vst.idx.msk $0xffff, v3  }
0x36: {  	p1 =	por p0, p0;
	v3 =	vld.idx.msk [tilespmem:v0+s19+$0x60 ss:$0x1], $0xffff;
	[tilespmem:v1+s18+$0x20 ss:$0x1] =	vst.idx.msk $0xffff, v4  }
.Ltmp3:
0x37: {  	[tilespmem:v1+s18+$0x30 ss:$0x1] =	vst.idx.msk $0xffff, v5;
	(pc) =	sbr.rel @p1 .LBB1_4-.Ltmp3, $4  }
0x38: {  	[tilespmem:v1+s18+$0x40 ss:$0x1] =	vst.idx.msk $0xffff, v6  }
0x39: {  	[tilespmem:v1+s18+$0x70 ss:$0x1] =	vst.idx.msk $0xffff, v63  }
0x3a: {  	[tilespmem:v1+s18+$0x50 ss:$0x1] =	vst.idx.msk $0xffff, v2  }
0x3b: {  	p0 =	por $0x0, $0x0;
	[tilespmem:v1+s18+$0x60 ss:$0x1] =	vst.idx.msk $0xffff, v3;
	s18 =	simm.s32 $0x1  }
0x3c: {  	s17 =	sadd.s32 $0x1, s17  }
0x3d: {  	p0 =	sne.s32 s17, $0x40  }
.Ltmp4:
0x3e: {  	_ = 	snop;
	(pc) =	sbr.rel @p0 .LBB1_3-.Ltmp4, $1  }
0x3f: {  	_ =	sdelay $0x3  }
.Ltmp5:
0x40: {  	s14 =	sshll.u32 s14, $0x4;
	(pc) =	sbr.rel .LBB1_7-.Ltmp5, $4  }
0x41: {  	s14 =	sand.u32 $0xFFF0, s14  }
0x42: {  	s13 =	sshll.u32 s13, $0x10;
	s14 =	sadd.s32 s3, s14  }
0x43: {  	s13 =	sadd.s32 s13, s14  }
0x44: {  	[hbm4b:s13+s8] =	stream.strided.scatter [tilespmem:s15], [sflag:$0x2], $0x4000, s9, s8, $0x38;
	[tilespmem:$0x10000] =	vst v63  }
.LBB1_8:
0x45: {  	_ =	sfence.sel $0x180000  }
0x46: {  	s2 =	simm.s32 $0x1;
	[bflag:$0x0] =	sbarrier.arrive $0xFFFF  }
0x47: {  	s31 =	simm.s32 $0x2;
	[sflag:s2] =	ssyncpa.u1 $0x1  }
0x48: {  	[sflag:s31] =	ssyncpa.u1 $0x1  }
0x49: {  	p0 =	sne.s32 s0, $0x0;
	_ =	strace $0x9000004A  }
0x4a: {  	s0 =	sadd.s32 @!p0 $0x100000, s1;
	[bflag:$0x2] =	sbarrier.arrive $0xFFFF  }
0x4b: {  	[sflag:s0] =	ssyncadd.tile.s32 @!p0 $0x1;
	_ =	shalt  }
.Lfunc_end1:
_tile_overlayer_lowered:
.L_overlay_start_2:
0x4c: {  	(tag) =	ssettag $0x2  }
0x4d: {  	s0 =	rddreg [dreg:$0x0];
	s2 =	stileid.u32  }
0x4e: {  	s1 =	rddreg [dreg:$0x1];
	p0 =	sne.s32 s2, $0x0  }
0x4f: {  	s3 =	rddreg [dreg:$0x2];
	[bflag:$0x3] =	sbarrier.arrive $0xFFFF;
	s2 =	simm.s32 @!p0 $0x1C01  }
0x50: {  	[timem:s3], [sflag:s2] =	dma.local @!p0 [hbm:s0], s1  }
0x51: {  	s0 =	simm.s32 @!p0 $0x1  }
0x52: {  	_ =	swait.ge @!p0 [sflag:s0], s1  }
0x53: {  	s1 =	ssub.s32 @!p0 $0x0, s1;
	[sflag:s0] =	ssyncset.done @!p0 $0x0  }
0x54: {  	[sflag:s0] =	ssyncadd.s32 @!p0 s1  }
0x55: {  	[bflag:$0x3] =	sbarrier.arrive $0xFFFF  }
0x56: {  	_ =	shalt  }

</sc_bundles>
